<compile_context>
chip_gen: v7x
topology: tpu7x:2x2x1
jax: 0.10.2.dev20260603
libtpu: 0.0.44.dev20260713+nightly
codegen_flags: <defaults>
</compile_context>

<pallas_src>
import functools

import jax
import jax.numpy as jnp
from jax import lax
from jax.experimental import pallas as pl
from jax.experimental.pallas import tpu as pltpu
from jax.experimental.pallas import tpu_sc as plsc

_N = 10000
_E = 320000
_D = 128

_NC = 2
_NS = 16
_NPAD = 10240
_ROWS_PER_TILE = _NPAD // _NS
_ZROWS = 32


def _vec_mesh():
    return plsc.VectorSubcoreMesh(
        core_axis_name="c", subcore_axis_name="s",
        num_cores=_NC, num_subcores=_NS)


def _fill_const(ref, nrows, value):
    vec = jnp.full((16,), value, jnp.float32)

    def row(i, carry):
        def lane(j, carry2):
            ref[i, pl.ds(j * 16, 16)] = vec
            return carry2
        return lax.fori_loop(0, _D // 16, lane, carry)
    lax.fori_loop(0, nrows, row, 0)


def _zero_acc_slice(zbuf, acc_sh, s):
    def za(i, carry):
        pltpu.sync_copy(
            zbuf, acc_sh.at[pl.ds(s * _ROWS_PER_TILE + i * _ZROWS, _ZROWS)])
        return carry
    lax.fori_loop(0, _ROWS_PER_TILE // _ZROWS, za, 0)


_DEG_K = 80
_DEG_EPT = _E // _NS
_DEG_ITERS = _DEG_EPT // _DEG_K


def _sc_degrees_body(src_hbm, dst_hbm, out_hbm, ones_v, idxf, zbuf, acc_sh):
    c = lax.axis_index("c")
    s = lax.axis_index("s")

    _fill_const(ones_v, _DEG_K, 1.0)
    _fill_const(zbuf, _ZROWS, 0.0)
    _zero_acc_slice(zbuf, acc_sh, s)

    @pl.when(c == 0)
    def _():
        pltpu.sync_copy(src_hbm.at[pl.ds(s * _DEG_EPT, _DEG_EPT)], idxf)

    @pl.when(c == 1)
    def _():
        pltpu.sync_copy(dst_hbm.at[pl.ds(s * _DEG_EPT, _DEG_EPT)], idxf)
    plsc.subcore_barrier()

    def step(j, carry):
        pltpu.sync_copy(ones_v,
                        acc_sh.at[idxf.at[pl.ds(j * _DEG_K, _DEG_K)]],
                        add=True)
        return carry
    lax.fori_loop(0, _DEG_ITERS, step, 0)
    plsc.subcore_barrier()

    r0 = s * _ROWS_PER_TILE
    pltpu.sync_copy(acc_sh.at[pl.ds(r0, _ROWS_PER_TILE)],
                    out_hbm.at[c, pl.ds(r0, _ROWS_PER_TILE)])


def _sc_degrees(src, dst):
    k = pl.kernel(
        _sc_degrees_body,
        out_type=jax.ShapeDtypeStruct((2, _NPAD, _D), jnp.float32),
        mesh=_vec_mesh(),
        scratch_types=[
            pltpu.VMEM((_DEG_K, _D), jnp.float32),
            pltpu.VMEM((_DEG_EPT,), jnp.int32),
            pltpu.VMEM((_ZROWS, _D), jnp.float32),
            pltpu.VMEM_SHARED((_NPAD, _D), jnp.float32),
        ],
    )
    return k(src, dst)


_SP_K = 80
_SP_EPT = _E // (_NC * _NS)
_SP_ITERS = _SP_EPT // _SP_K


def _sc_spmm_body(xs_hbm, src_hbm, dst_hbm, out_hbm,
                  sidxf, didxf, rowsa, gsema, rowsb, gsemb,
                  zbuf, acc_sh):
    c = lax.axis_index("c")
    s = lax.axis_index("s")

    _fill_const(zbuf, _ZROWS, 0.0)
    _zero_acc_slice(zbuf, acc_sh, s)

    base = c * (_E // _NC) + s * _SP_EPT
    pltpu.sync_copy(src_hbm.at[pl.ds(base, _SP_EPT)], sidxf)
    pltpu.sync_copy(dst_hbm.at[pl.ds(base, _SP_EPT)], didxf)
    plsc.subcore_barrier()

    def _six(j):
        return sidxf.at[pl.ds(j * _SP_K, _SP_K)]

    def fire_g(j, rows, gsem):
        pltpu.async_copy(xs_hbm.at[_six(j)], rows, gsem)

    def drain_g(j, rows, gsem):
        pltpu.make_async_copy(xs_hbm.at[_six(j)], rows, gsem).wait()

    def scat(j, rows):
        pltpu.sync_copy(rows,
                        acc_sh.at[didxf.at[pl.ds(j * _SP_K, _SP_K)]],
                        add=True)

    fire_g(0, rowsa, gsema)

    def step(p, carry):
        j = 2 * p
        fire_g(j + 1, rowsb, gsemb)
        drain_g(j, rowsa, gsema)
        scat(j, rowsa)
        fire_g(j + 2, rowsa, gsema)
        drain_g(j + 1, rowsb, gsemb)
        scat(j + 1, rowsb)
        return carry
    lax.fori_loop(0, _SP_ITERS // 2, step, 0)
    drain_g(_SP_ITERS - 1, rowsa, gsema)
    scat(_SP_ITERS - 1, rowsa)
    plsc.subcore_barrier()

    r0 = s * _ROWS_PER_TILE
    pltpu.sync_copy(acc_sh.at[pl.ds(r0, _ROWS_PER_TILE)],
                    out_hbm.at[c, pl.ds(r0, _ROWS_PER_TILE)])


def _sc_spmm(xs, src1, dst1):
    k = pl.kernel(
        _sc_spmm_body,
        out_type=jax.ShapeDtypeStruct((2, _NPAD, _D), jnp.float32),
        mesh=_vec_mesh(),
        scratch_types=[
            pltpu.VMEM((_SP_EPT,), jnp.int32),
            pltpu.VMEM((_SP_EPT,), jnp.int32),
            pltpu.VMEM((_SP_K, _D), jnp.float32),
            pltpu.SemaphoreType.DMA,
            pltpu.VMEM((_SP_K, _D), jnp.float32),
            pltpu.SemaphoreType.DMA,
            pltpu.VMEM((_ZROWS, _D), jnp.float32),
            pltpu.VMEM_SHARED((_NPAD, _D), jnp.float32),
        ],
    )
    return k(xs, src1, dst1)


_R = 2000


def _norms_from_deg(deg_blk):
    dout = deg_blk[0, :, 0:1]
    din = deg_blk[1, :, 0:1]
    ns = lax.rsqrt(jnp.where(dout > 0, dout, 1.0))
    nd = lax.rsqrt(jnp.where(din > 0, din, 1.0))
    return ns, nd


def _tc_prep_body(x_ref, deg_ref, o_ref):
    ns, _ = _norms_from_deg(deg_ref[...])
    o_ref[...] = x_ref[...] * ns


def _tc_prep(x, deg):
    return pl.pallas_call(
        _tc_prep_body,
        grid=(_N // _R,),
        in_specs=[
            pl.BlockSpec((_R, _D), lambda i: (i, 0)),
            pl.BlockSpec((2, _R, _D), lambda i: (0, i, 0)),
        ],
        out_specs=pl.BlockSpec((_R, _D), lambda i: (i, 0)),
        out_shape=jax.ShapeDtypeStruct((_N, _D), jnp.float32),
    )(x, deg)


def _tc_layer_body(final, g_ref, deg_ref, w_ref, b_ref, ga_ref, be_ref,
                   x_ref, o_ref):
    ns, nd = _norms_from_deg(deg_ref[...])
    gsum = (g_ref[0] + g_ref[1]) * nd
    h = jnp.dot(gsum, w_ref[...], preferred_element_type=jnp.float32)
    h = h + b_ref[...]
    m = jnp.mean(h, axis=-1, keepdims=True)
    v = jnp.mean((h - m) ** 2, axis=-1, keepdims=True)
    h = (h - m) * lax.rsqrt(v + 1e-5) * ga_ref[...] + be_ref[...]
    h = h * jax.nn.sigmoid(h)
    if final:
        o_ref[...] = h + x_ref[...]
    else:
        o_ref[...] = h * ns


def _tc_layer(gpart, deg, w, b, ga, be, x, final):
    return pl.pallas_call(
        functools.partial(_tc_layer_body, final),
        grid=(_N // _R,),
        in_specs=[
            pl.BlockSpec((2, _R, _D), lambda i: (0, i, 0)),
            pl.BlockSpec((2, _R, _D), lambda i: (0, i, 0)),
            pl.BlockSpec((_D, _D), lambda i: (0, 0)),
            pl.BlockSpec((1, _D), lambda i: (0, 0)),
            pl.BlockSpec((1, _D), lambda i: (0, 0)),
            pl.BlockSpec((1, _D), lambda i: (0, 0)),
            pl.BlockSpec((_R, _D), lambda i: (i, 0)),
        ],
        out_specs=pl.BlockSpec((_R, _D), lambda i: (i, 0)),
        out_shape=jax.ShapeDtypeStruct((_N, _D), jnp.float32),
    )(gpart, deg, w, b, ga, be, x)


def kernel(x, edge_index, W1, b1, g1, be1, W2, b2, g2, be2):
    ei = edge_index.astype(jnp.int32)
    src = ei[0]
    dst = ei[1]
    b1r, g1r, be1r = b1.reshape(1, _D), g1.reshape(1, _D), be1.reshape(1, _D)
    b2r, g2r, be2r = b2.reshape(1, _D), g2.reshape(1, _D), be2.reshape(1, _D)

    deg = _sc_degrees(src, dst)
    t0 = _tc_prep(x, deg)
    gp1 = _sc_spmm(t0, src, dst)
    t1 = _tc_layer(gp1, deg, W1, b1r, g1r, be1r, x, final=False)
    gp2 = _sc_spmm(t1, src, dst)
    out = _tc_layer(gp2, deg, W2, b2r, g2r, be2r, x, final=True)
    return out

# --- scband reference (transcript-rebuilt; emitter-appended) ---
"""Pipeline reference for scband-res-block-48936857371129 (READ-ONLY COPY).

The authoritative reference and input builder live on the scoring server;
editing this copy changes nothing except your own understanding.
"""

import jax, jax.numpy as jnp
import numpy as np

N = 10000
E = 320000
D = 128


def setup_inputs(seed: int = 0):
    key = jax.random.key(seed)
    ks = jax.random.split(key, 6)
    x = jax.random.normal(ks[0], (N, D), dtype=jnp.float32)
    edge_index = jax.random.randint(ks[1], (2, E), 0, N)
    s = 1.0 / np.sqrt(D)
    W1 = jax.random.normal(ks[2], (D, D), dtype=jnp.float32) * s
    b1 = jnp.zeros((D,), dtype=jnp.float32)
    g1 = jnp.ones((D,), dtype=jnp.float32)
    be1 = jnp.zeros((D,), dtype=jnp.float32)
    W2 = jax.random.normal(ks[3], (D, D), dtype=jnp.float32) * s
    b2 = jnp.zeros((D,), dtype=jnp.float32)
    g2 = jnp.ones((D,), dtype=jnp.float32)
    be2 = jnp.zeros((D,), dtype=jnp.float32)
    return {"x": x, "edge_index": edge_index, "W1": W1, "b1": b1, "g1": g1, "be1": be1, "W2": W2, "b2": b2, "g2": g2, "be2": be2}


def _layer_norm(h, g, b, eps=1e-5):
    m = jnp.mean(h, axis=-1, keepdims=True)
    v = jnp.var(h, axis=-1, keepdims=True)
    return (h - m) / jnp.sqrt(v + eps) * g + b


def _graph_conv(x, W, b, src, dst, norm_src, norm_dst):
    # DGL GraphConv with norm='both': symmetric degree normalization
    h = x * norm_src[:, None]
    h = h @ W
    agg = jax.ops.segment_sum(h[src], dst, num_segments=N)
    return agg * norm_dst[:, None] + b


def reference(x, edge_index, W1, b1, g1, be1, W2, b2, g2, be2):
    src = edge_index[0]
    dst = edge_index[1]
    deg_out = jnp.bincount(src, length=N).astype(jnp.float32)
    deg_in = jnp.bincount(dst, length=N).astype(jnp.float32)
    norm_src = jnp.where(deg_out > 0, deg_out, 1.0) ** -0.5
    norm_dst = jnp.where(deg_in > 0, deg_in, 1.0) ** -0.5
    h = _graph_conv(x, W1, b1, src, dst, norm_src, norm_dst)
    h = _layer_norm(h, g1, be1)
    h = jax.nn.silu(h)
    h = _graph_conv(h, W2, b2, src, dst, norm_src, norm_dst)
    h = _layer_norm(h, g2, be2)
    h = jax.nn.silu(h)
    # skip is Identity since in_dim == out_dim
    return h + x

if __name__ == "__main__":
    import jax
    _d = setup_inputs()
    print(jax.jit(kernel)(*tuple(_d.values())))

</pallas_src>

<mosaic_0001>
#map = affine_map<(d0, d1) -> (0, 0)>
#map1 = affine_map<(d0, d1) -> (0)>
#map2 = affine_map<(d0, d1) -> (0, 0, 0)>
module attributes {stable_mosaic.version = 14 : i64} {
  func.func @_sc_spmm_body(%arg0: i32, %arg1: i32, %arg2: memref<10000x128xf32, #tpu.memory_space<hbm>>, %arg3: memref<320000xi32, #tpu.memory_space<hbm>>, %arg4: memref<320000xi32, #tpu.memory_space<hbm>>, %arg5: memref<2x10240x128xf32, #tpu.memory_space<hbm>>, %arg6: memref<10000xi32, #tpu.memory_space<vmem>>, %arg7: memref<10000xi32, #tpu.memory_space<vmem>>, %arg8: memref<80x128xf32, #tpu.memory_space<vmem>>, %arg9: memref<!tpu.dma_semaphore, #tpu.memory_space<semaphore_mem>>, %arg10: memref<80x128xf32, #tpu.memory_space<vmem>>, %arg11: memref<!tpu.dma_semaphore, #tpu.memory_space<semaphore_mem>>, %arg12: memref<32x128xf32, #tpu.memory_space<vmem>>, %arg13: memref<10240x128xf32, #tpu.memory_space<vmem_shared>>) attributes {dimension_semantics = [#tpu.dimension_semantics<core_parallel>, #tpu.dimension_semantics<subcore_parallel>], iteration_bounds = array<i64: 2, 16>, scalar_prefetch = 0 : i64, scratch_operands = 8 : i64, tpu.core_type = #tpu.core_type<sc_vector_subcore>, window_params = [{transform_indices = #map}, {transform_indices = #map1}, {transform_indices = #map1}, {transform_indices = #map2}]} {
    %broadcast_in_dim3A = arith.constant 0.000000e+00 : f32
    %broadcast_in_dim3A_0 = vector.broadcast %broadcast_in_dim3A : f32 to vector<16xf32>
    %scan3A = arith.constant 0 : i32
    %scan3A_1 = arith.constant 0 : i32
    %scan3A_2 = arith.constant 32 : i32
    %scan3A_3 = arith.addi %scan3A_1, %scan3A_2 : i32
    %scan3A_4 = arith.constant 1 : i32
    scf.for %scan3A_32 = %scan3A_1 to %scan3A_3 step %scan3A_4  : i32 {
      %scan3A_33 = arith.constant 0 : i32
      %scan3A_34 = arith.constant 8 : i32
      %scan3A_35 = arith.addi %scan3A_33, %scan3A_34 : i32
      %scan3A_36 = arith.constant 1 : i32
      scf.for %scan3A_38 = %scan3A_33 to %scan3A_35 step %scan3A_36  : i32 {
        %mul3A_39 = arith.constant 16 : i32
        %mul3A_40 = arith.muli %scan3A_38, %mul3A_39 : i32
        %swap3A = arith.index_cast %scan3A_32 : i32 to index
        %swap3A_41 = arith.index_cast %mul3A_40 : i32 to index
        %swap3A_42 = tpu.vector_load %arg12[%swap3A, %swap3A_41] {strides = array<i32>} : memref<32x128xf32, #tpu.memory_space<vmem>>, vector<1x16xf32>,
        %swap3A_43 = vector.shape_cast %swap3A_42 : vector<1x16xf32> to vector<16xf32>
        %swap3A_44 = vector.shape_cast %broadcast_in_dim3A_0 : vector<16xf32> to vector<1x16xf32>
        tpu.vector_store %arg12[%swap3A, %swap3A_41], %swap3A_44 {strides = array<i32>} : memref<32x128xf32, #tpu.memory_space<vmem>>, vector<1x16xf32>,
      }
      %scan3A_37 = arith.constant 8 : i32
    }
    %scan3A_5 = arith.constant 32 : i32
    %scan3A_6 = arith.constant 0 : i32
    %scan3A_7 = arith.constant 0 : i32
    %scan3A_8 = arith.constant 20 : i32
    %scan3A_9 = arith.addi %scan3A_7, %scan3A_8 : i32
    %scan3A_10 = arith.constant 1 : i32
    scf.for %scan3A_32 = %scan3A_7 to %scan3A_9 step %scan3A_10  : i32 {
      %mul3A_33 = arith.constant 640 : i32
      %mul3A_34 = arith.muli %arg1, %mul3A_33 : i32
      %mul3A_35 = arith.constant 32 : i32
      %mul3A_36 = arith.muli %scan3A_32, %mul3A_35 : i32
      %add3A_37 = arith.addi %mul3A_34, %mul3A_36 : i32
      "tpu.region"() ({
        %run_scoped3A = tpu.sem_alloc : memref<!tpu.dma_semaphore, #tpu.memory_space<semaphore_mem>>
        %dma_start3A_38 = arith.constant 0 : i32
        %dma_start3A_39 = tpu.memref_slice %arg13[%add3A_37, %dma_start3A_38] : memref<10240x128xf32, #tpu.memory_space<vmem_shared>> -> memref<32x128xf32, #tpu.memory_space<vmem_shared>>
        %dma_start3A_40 = arith.constant 0 : i32
        %dma_start3A_41 = tpu.memref_slice %arg13[%add3A_37, %dma_start3A_40] : memref<10240x128xf32, #tpu.memory_space<vmem_shared>> -> memref<32x128xf32, #tpu.memory_space<vmem_shared>>
        tpu.enqueue_dma source(%arg12 : memref<32x128xf32, #tpu.memory_space<vmem>>) target(%dma_start3A_41 : memref<32x128xf32, #tpu.memory_space<vmem_shared>>) target_semaphore(%run_scoped3A : memref<!tpu.dma_semaphore, #tpu.memory_space<semaphore_mem>>)
        %dma_wait3A_42 = arith.constant 0 : i32
        %dma_wait3A_43 = tpu.memref_slice %arg13[%add3A_37, %dma_wait3A_42] : memref<10240x128xf32, #tpu.memory_space<vmem_shared>> -> memref<32x128xf32, #tpu.memory_space<vmem_shared>>
        %dma_wait3A_44 = arith.constant 0 : i32
        %dma_wait3A_45 = tpu.memref_slice %arg13[%add3A_37, %dma_wait3A_44] : memref<10240x128xf32, #tpu.memory_space<vmem_shared>> -> memref<32x128xf32, #tpu.memory_space<vmem_shared>>
        tpu.wait_dma2 semaphore(%run_scoped3A : memref<!tpu.dma_semaphore, #tpu.memory_space<semaphore_mem>>) src(%arg12 : memref<32x128xf32, #tpu.memory_space<vmem>>) dst(%dma_wait3A_45 : memref<32x128xf32, #tpu.memory_space<vmem_shared>>)
        tpu.yield
      }) : () -> ()
    }
    %scan3A_11 = arith.constant 20 : i32
    %mul3A = arith.constant 160000 : i32
    %mul3A_12 = arith.muli %arg0, %mul3A : i32
    %mul3A_13 = arith.constant 10000 : i32
    %mul3A_14 = arith.muli %arg1, %mul3A_13 : i32
    %add3A = arith.addi %mul3A_12, %mul3A_14 : i32
    "tpu.region"() ({
      %run_scoped3A = tpu.sem_alloc : memref<!tpu.dma_semaphore, #tpu.memory_space<semaphore_mem>>
      %dma_start3A_32 = tpu.memref_slice %arg3[%add3A] : memref<320000xi32, #tpu.memory_space<hbm>> -> memref<10000xi32, #tpu.memory_space<hbm>>
      %dma_start3A_33 = tpu.memref_slice %arg3[%add3A] : memref<320000xi32, #tpu.memory_space<hbm>> -> memref<10000xi32, #tpu.memory_space<hbm>>
      tpu.enqueue_dma source(%dma_start3A_33 : memref<10000xi32, #tpu.memory_space<hbm>>) target(%arg6 : memref<10000xi32, #tpu.memory_space<vmem>>) target_semaphore(%run_scoped3A : memref<!tpu.dma_semaphore, #tpu.memory_space<semaphore_mem>>)
      %dma_wait3A_34 = tpu.memref_slice %arg3[%add3A] : memref<320000xi32, #tpu.memory_space<hbm>> -> memref<10000xi32, #tpu.memory_space<hbm>>
      %dma_wait3A_35 = tpu.memref_slice %arg3[%add3A] : memref<320000xi32, #tpu.memory_space<hbm>> -> memref<10000xi32, #tpu.memory_space<hbm>>
      tpu.wait_dma2 semaphore(%run_scoped3A : memref<!tpu.dma_semaphore, #tpu.memory_space<semaphore_mem>>) src(%dma_wait3A_35 : memref<10000xi32, #tpu.memory_space<hbm>>) dst(%arg6 : memref<10000xi32, #tpu.memory_space<vmem>>)
      tpu.yield
    }) : () -> ()
    "tpu.region"() ({
      %run_scoped3A = tpu.sem_alloc : memref<!tpu.dma_semaphore, #tpu.memory_space<semaphore_mem>>
      %dma_start3A_32 = tpu.memref_slice %arg4[%add3A] : memref<320000xi32, #tpu.memory_space<hbm>> -> memref<10000xi32, #tpu.memory_space<hbm>>
      %dma_start3A_33 = tpu.memref_slice %arg4[%add3A] : memref<320000xi32, #tpu.memory_space<hbm>> -> memref<10000xi32, #tpu.memory_space<hbm>>
      tpu.enqueue_dma source(%dma_start3A_33 : memref<10000xi32, #tpu.memory_space<hbm>>) target(%arg7 : memref<10000xi32, #tpu.memory_space<vmem>>) target_semaphore(%run_scoped3A : memref<!tpu.dma_semaphore, #tpu.memory_space<semaphore_mem>>)
      %dma_wait3A_34 = tpu.memref_slice %arg4[%add3A] : memref<320000xi32, #tpu.memory_space<hbm>> -> memref<10000xi32, #tpu.memory_space<hbm>>
      %dma_wait3A_35 = tpu.memref_slice %arg4[%add3A] : memref<320000xi32, #tpu.memory_space<hbm>> -> memref<10000xi32, #tpu.memory_space<hbm>>
      tpu.wait_dma2 semaphore(%run_scoped3A : memref<!tpu.dma_semaphore, #tpu.memory_space<semaphore_mem>>) src(%dma_wait3A_35 : memref<10000xi32, #tpu.memory_space<hbm>>) dst(%arg7 : memref<10000xi32, #tpu.memory_space<vmem>>)
      tpu.yield
    }) : () -> ()
    %barrier3A = arith.constant 0 : index
    tpu.barrier barrier_id(%barrier3A)
    %dma_start3A = arith.constant 0 : i32
    %dma_start3A_15 = tpu.memref_slice %arg6[%dma_start3A] : memref<10000xi32, #tpu.memory_space<vmem>> -> memref<80xi32, #tpu.memory_space<vmem>>
    %dma_start3A_16 = arith.constant 0 : i32
    %dma_start3A_17 = arith.constant 0 : i32
    %dma_start3A_18 = tpu.memref_slice %arg2[%dma_start3A_16, %dma_start3A_17] : memref<10000x128xf32, #tpu.memory_space<hbm>> -> memref<10000x128xf32, #tpu.memory_space<hbm>>
    tpu.enqueue_indirect_dma source(%dma_start3A_18 : memref<10000x128xf32, #tpu.memory_space<hbm>>) target(%arg8 : memref<80x128xf32, #tpu.memory_space<vmem>>) offsets(%dma_start3A_15 : memref<80xi32, #tpu.memory_space<vmem>>) semaphore(%arg9 : memref<!tpu.dma_semaphore, #tpu.memory_space<semaphore_mem>>)
    %scan3A_19 = arith.constant 0 : i32
    %scan3A_20 = arith.constant 0 : i32
    %scan3A_21 = arith.constant 62 : i32
    %scan3A_22 = arith.addi %scan3A_20, %scan3A_21 : i32
    %scan3A_23 = arith.constant 1 : i32
    scf.for %scan3A_32 = %scan3A_20 to %scan3A_22 step %scan3A_23  : i32 {
      %mul3A_33 = arith.constant 2 : i32
      %mul3A_34 = arith.muli %mul3A_33, %scan3A_32 : i32
      %add3A_35 = arith.constant 1 : i32
      %add3A_36 = arith.addi %mul3A_34, %add3A_35 : i32
      %mul3A_37 = arith.constant 80 : i32
      %mul3A_38 = arith.muli %add3A_36, %mul3A_37 : i32
      %dma_start3A_39 = tpu.memref_slice %arg6[%mul3A_38] : memref<10000xi32, #tpu.memory_space<vmem>> -> memref<80xi32, #tpu.memory_space<vmem>>
      %dma_start3A_40 = arith.constant 0 : i32
      %dma_start3A_41 = arith.constant 0 : i32
      %dma_start3A_42 = tpu.memref_slice %arg2[%dma_start3A_40, %dma_start3A_41] : memref<10000x128xf32, #tpu.memory_space<hbm>> -> memref<10000x128xf32, #tpu.memory_space<hbm>>
      tpu.enqueue_indirect_dma source(%dma_start3A_42 : memref<10000x128xf32, #tpu.memory_space<hbm>>) target(%arg10 : memref<80x128xf32, #tpu.memory_space<vmem>>) offsets(%dma_start3A_39 : memref<80xi32, #tpu.memory_space<vmem>>) semaphore(%arg11 : memref<!tpu.dma_semaphore, #tpu.memory_space<semaphore_mem>>)
      %mul3A_43 = arith.constant 80 : i32
      %mul3A_44 = arith.muli %mul3A_34, %mul3A_43 : i32
      %dma_wait3A_45 = tpu.memref_slice %arg6[%mul3A_44] : memref<10000xi32, #tpu.memory_space<vmem>> -> memref<80xi32, #tpu.memory_space<vmem>>
      %dma_wait3A_46 = arith.constant 0 : i32
      %dma_wait3A_47 = arith.constant 0 : i32
      %dma_wait3A_48 = tpu.memref_slice %arg2[%dma_wait3A_46, %dma_wait3A_47] : memref<10000x128xf32, #tpu.memory_space<hbm>> -> memref<10000x128xf32, #tpu.memory_space<hbm>>
      tpu.wait_indirect_dma semaphore(%arg9 : memref<!tpu.dma_semaphore, #tpu.memory_space<semaphore_mem>>) src(%dma_wait3A_48 : memref<10000x128xf32, #tpu.memory_space<hbm>>) dst(%arg8 : memref<80x128xf32, #tpu.memory_space<vmem>>)
      %mul3A_49 = arith.constant 80 : i32
      %mul3A_50 = arith.muli %mul3A_34, %mul3A_49 : i32
      "tpu.region"() ({
        %run_scoped3A = tpu.sem_alloc : memref<!tpu.dma_semaphore, #tpu.memory_space<semaphore_mem>>
        %dma_start3A_71 = tpu.memref_slice %arg7[%mul3A_50] : memref<10000xi32, #tpu.memory_space<vmem>> -> memref<80xi32, #tpu.memory_space<vmem>>
        %dma_start3A_72 = arith.constant 0 : i32
        %dma_start3A_73 = arith.constant 0 : i32
        %dma_start3A_74 = tpu.memref_slice %arg13[%dma_start3A_72, %dma_start3A_73] : memref<10240x128xf32, #tpu.memory_space<vmem_shared>> -> memref<10240x128xf32, #tpu.memory_space<vmem_shared>>
        tpu.enqueue_indirect_dma source(%arg8 : memref<80x128xf32, #tpu.memory_space<vmem>>) target(%dma_start3A_74 : memref<10240x128xf32, #tpu.memory_space<vmem_shared>>) offsets(%dma_start3A_71 : memref<80xi32, #tpu.memory_space<vmem>>) semaphore(%run_scoped3A : memref<!tpu.dma_semaphore, #tpu.memory_space<semaphore_mem>>) {add = true}
        %dma_wait3A_75 = tpu.memref_slice %arg7[%mul3A_50] : memref<10000xi32, #tpu.memory_space<vmem>> -> memref<80xi32, #tpu.memory_space<vmem>>
        %dma_wait3A_76 = arith.constant 0 : i32
        %dma_wait3A_77 = arith.constant 0 : i32
        %dma_wait3A_78 = tpu.memref_slice %arg13[%dma_wait3A_76, %dma_wait3A_77] : memref<10240x128xf32, #tpu.memory_space<vmem_shared>> -> memref<10240x128xf32, #tpu.memory_space<vmem_shared>>
        tpu.wait_indirect_dma semaphore(%run_scoped3A : memref<!tpu.dma_semaphore, #tpu.memory_space<semaphore_mem>>) src(%arg8 : memref<80x128xf32, #tpu.memory_space<vmem>>) dst(%dma_wait3A_78 : memref<10240x128xf32, #tpu.memory_space<vmem_shared>>)
        tpu.yield
      }) : () -> ()
      %add3A_51 = arith.constant 2 : i32
      %add3A_52 = arith.addi %mul3A_34, %add3A_51 : i32
      %mul3A_53 = arith.constant 80 : i32
      %mul3A_54 = arith.muli %add3A_52, %mul3A_53 : i32
      %dma_start3A_55 = tpu.memref_slice %arg6[%mul3A_54] : memref<10000xi32, #tpu.memory_space<vmem>> -> memref<80xi32, #tpu.memory_space<vmem>>
      %dma_start3A_56 = arith.constant 0 : i32
      %dma_start3A_57 = arith.constant 0 : i32
      %dma_start3A_58 = tpu.memref_slice %arg2[%dma_start3A_56, %dma_start3A_57] : memref<10000x128xf32, #tpu.memory_space<hbm>> -> memref<10000x128xf32, #tpu.memory_space<hbm>>
      tpu.enqueue_indirect_dma source(%dma_start3A_58 : memref<10000x128xf32, #tpu.memory_space<hbm>>) target(%arg8 : memref<80x128xf32, #tpu.memory_space<vmem>>) offsets(%dma_start3A_55 : memref<80xi32, #tpu.memory_space<vmem>>) semaphore(%arg9 : memref<!tpu.dma_semaphore, #tpu.memory_space<semaphore_mem>>)
      %add3A_59 = arith.constant 1 : i32
      %add3A_60 = arith.addi %mul3A_34, %add3A_59 : i32
      %mul3A_61 = arith.constant 80 : i32
      %mul3A_62 = arith.muli %add3A_60, %mul3A_61 : i32
      %dma_wait3A_63 = tpu.memref_slice %arg6[%mul3A_62] : memref<10000xi32, #tpu.memory_space<vmem>> -> memref<80xi32, #tpu.memory_space<vmem>>
      %dma_wait3A_64 = arith.constant 0 : i32
      %dma_wait3A_65 = arith.constant 0 : i32
      %dma_wait3A_66 = tpu.memref_slice %arg2[%dma_wait3A_64, %dma_wait3A_65] : memref<10000x128xf32, #tpu.memory_space<hbm>> -> memref<10000x128xf32, #tpu.memory_space<hbm>>
      tpu.wait_indirect_dma semaphore(%arg11 : memref<!tpu.dma_semaphore, #tpu.memory_space<semaphore_mem>>) src(%dma_wait3A_66 : memref<10000x128xf32, #tpu.memory_space<hbm>>) dst(%arg10 : memref<80x128xf32, #tpu.memory_space<vmem>>)
      %add3A_67 = arith.constant 1 : i32
      %add3A_68 = arith.addi %mul3A_34, %add3A_67 : i32
      %mul3A_69 = arith.constant 80 : i32
      %mul3A_70 = arith.muli %add3A_68, %mul3A_69 : i32
      "tpu.region"() ({
        %run_scoped3A = tpu.sem_alloc : memref<!tpu.dma_semaphore, #tpu.memory_space<semaphore_mem>>
        %dma_start3A_71 = tpu.memref_slice %arg7[%mul3A_70] : memref<10000xi32, #tpu.memory_space<vmem>> -> memref<80xi32, #tpu.memory_space<vmem>>
        %dma_start3A_72 = arith.constant 0 : i32
        %dma_start3A_73 = arith.constant 0 : i32
        %dma_start3A_74 = tpu.memref_slice %arg13[%dma_start3A_72, %dma_start3A_73] : memref<10240x128xf32, #tpu.memory_space<vmem_shared>> -> memref<10240x128xf32, #tpu.memory_space<vmem_shared>>
        tpu.enqueue_indirect_dma source(%arg10 : memref<80x128xf32, #tpu.memory_space<vmem>>) target(%dma_start3A_74 : memref<10240x128xf32, #tpu.memory_space<vmem_shared>>) offsets(%dma_start3A_71 : memref<80xi32, #tpu.memory_space<vmem>>) semaphore(%run_scoped3A : memref<!tpu.dma_semaphore, #tpu.memory_space<semaphore_mem>>) {add = true}
        %dma_wait3A_75 = tpu.memref_slice %arg7[%mul3A_70] : memref<10000xi32, #tpu.memory_space<vmem>> -> memref<80xi32, #tpu.memory_space<vmem>>
        %dma_wait3A_76 = arith.constant 0 : i32
        %dma_wait3A_77 = arith.constant 0 : i32
        %dma_wait3A_78 = tpu.memref_slice %arg13[%dma_wait3A_76, %dma_wait3A_77] : memref<10240x128xf32, #tpu.memory_space<vmem_shared>> -> memref<10240x128xf32, #tpu.memory_space<vmem_shared>>
        tpu.wait_indirect_dma semaphore(%run_scoped3A : memref<!tpu.dma_semaphore, #tpu.memory_space<semaphore_mem>>) src(%arg10 : memref<80x128xf32, #tpu.memory_space<vmem>>) dst(%dma_wait3A_78 : memref<10240x128xf32, #tpu.memory_space<vmem_shared>>)
        tpu.yield
      }) : () -> ()
    }
    %scan3A_24 = arith.constant 62 : i32
    %dma_wait3A = arith.constant 9920 : i32
    %dma_wait3A_25 = tpu.memref_slice %arg6[%dma_wait3A] : memref<10000xi32, #tpu.memory_space<vmem>> -> memref<80xi32, #tpu.memory_space<vmem>>
    %dma_wait3A_26 = arith.constant 0 : i32
    %dma_wait3A_27 = arith.constant 0 : i32
    %dma_wait3A_28 = tpu.memref_slice %arg2[%dma_wait3A_26, %dma_wait3A_27] : memref<10000x128xf32, #tpu.memory_space<hbm>> -> memref<10000x128xf32, #tpu.memory_space<hbm>>
    tpu.wait_indirect_dma semaphore(%arg9 : memref<!tpu.dma_semaphore, #tpu.memory_space<semaphore_mem>>) src(%dma_wait3A_28 : memref<10000x128xf32, #tpu.memory_space<hbm>>) dst(%arg8 : memref<80x128xf32, #tpu.memory_space<vmem>>)
    "tpu.region"() ({
      %run_scoped3A = tpu.sem_alloc : memref<!tpu.dma_semaphore, #tpu.memory_space<semaphore_mem>>
      %dma_start3A_32 = arith.constant 9920 : i32
      %dma_start3A_33 = tpu.memref_slice %arg7[%dma_start3A_32] : memref<10000xi32, #tpu.memory_space<vmem>> -> memref<80xi32, #tpu.memory_space<vmem>>
      %dma_start3A_34 = arith.constant 0 : i32
      %dma_start3A_35 = arith.constant 0 : i32
      %dma_start3A_36 = tpu.memref_slice %arg13[%dma_start3A_34, %dma_start3A_35] : memref<10240x128xf32, #tpu.memory_space<vmem_shared>> -> memref<10240x128xf32, #tpu.memory_space<vmem_shared>>
      tpu.enqueue_indirect_dma source(%arg8 : memref<80x128xf32, #tpu.memory_space<vmem>>) target(%dma_start3A_36 : memref<10240x128xf32, #tpu.memory_space<vmem_shared>>) offsets(%dma_start3A_33 : memref<80xi32, #tpu.memory_space<vmem>>) semaphore(%run_scoped3A : memref<!tpu.dma_semaphore, #tpu.memory_space<semaphore_mem>>) {add = true}
      %dma_wait3A_37 = arith.constant 9920 : i32
      %dma_wait3A_38 = tpu.memref_slice %arg7[%dma_wait3A_37] : memref<10000xi32, #tpu.memory_space<vmem>> -> memref<80xi32, #tpu.memory_space<vmem>>
      %dma_wait3A_39 = arith.constant 0 : i32
      %dma_wait3A_40 = arith.constant 0 : i32
      %dma_wait3A_41 = tpu.memref_slice %arg13[%dma_wait3A_39, %dma_wait3A_40] : memref<10240x128xf32, #tpu.memory_space<vmem_shared>> -> memref<10240x128xf32, #tpu.memory_space<vmem_shared>>
      tpu.wait_indirect_dma semaphore(%run_scoped3A : memref<!tpu.dma_semaphore, #tpu.memory_space<semaphore_mem>>) src(%arg8 : memref<80x128xf32, #tpu.memory_space<vmem>>) dst(%dma_wait3A_41 : memref<10240x128xf32, #tpu.memory_space<vmem_shared>>)
      tpu.yield
    }) : () -> ()
    %barrier3A_29 = arith.constant 0 : index
    tpu.barrier barrier_id(%barrier3A_29)
    %mul3A_30 = arith.constant 640 : i32
    %mul3A_31 = arith.muli %arg1, %mul3A_30 : i32
    "tpu.region"() ({
      %run_scoped3A = tpu.sem_alloc : memref<!tpu.dma_semaphore, #tpu.memory_space<semaphore_mem>>
      %dma_start3A_32 = arith.constant 0 : i32
      %dma_start3A_33 = tpu.memref_slice %arg5[%arg0, %mul3A_31, %dma_start3A_32] : memref<2x10240x128xf32, #tpu.memory_space<hbm>> -> memref<1x640x128xf32, #tpu.memory_space<hbm>>
      %dma_start3A_34 = tpu.memref_squeeze %dma_start3A_33 : memref<1x640x128xf32, #tpu.memory_space<hbm>> -> memref<640x128xf32, #tpu.memory_space<hbm>>
      %dma_start3A_35 = arith.constant 0 : i32
      %dma_start3A_36 = tpu.memref_slice %arg13[%mul3A_31, %dma_start3A_35] : memref<10240x128xf32, #tpu.memory_space<vmem_shared>> -> memref<640x128xf32, #tpu.memory_space<vmem_shared>>
      tpu.enqueue_dma source(%dma_start3A_36 : memref<640x128xf32, #tpu.memory_space<vmem_shared>>) target(%dma_start3A_34 : memref<640x128xf32, #tpu.memory_space<hbm>>) target_semaphore(%run_scoped3A : memref<!tpu.dma_semaphore, #tpu.memory_space<semaphore_mem>>)
      %dma_wait3A_37 = arith.constant 0 : i32
      %dma_wait3A_38 = tpu.memref_slice %arg5[%arg0, %mul3A_31, %dma_wait3A_37] : memref<2x10240x128xf32, #tpu.memory_space<hbm>> -> memref<1x640x128xf32, #tpu.memory_space<hbm>>
      %dma_wait3A_39 = tpu.memref_squeeze %dma_wait3A_38 : memref<1x640x128xf32, #tpu.memory_space<hbm>> -> memref<640x128xf32, #tpu.memory_space<hbm>>
      %dma_wait3A_40 = arith.constant 0 : i32
      %dma_wait3A_41 = tpu.memref_slice %arg13[%mul3A_31, %dma_wait3A_40] : memref<10240x128xf32, #tpu.memory_space<vmem_shared>> -> memref<640x128xf32, #tpu.memory_space<vmem_shared>>
      tpu.wait_dma2 semaphore(%run_scoped3A : memref<!tpu.dma_semaphore, #tpu.memory_space<semaphore_mem>>) src(%dma_wait3A_41 : memref<640x128xf32, #tpu.memory_space<vmem_shared>>) dst(%dma_wait3A_39 : memref<640x128xf32, #tpu.memory_space<hbm>>)
      tpu.yield
    }) : () -> ()
    return
  }
}

#map = affine_map<(d0, d1) -> (0)>
#map1 = affine_map<(d0, d1) -> (0, 0, 0)>
module attributes {stable_mosaic.version = 14 : i64} {
  func.func @_sc_degrees_body(%arg0: i32, %arg1: i32, %arg2: memref<320000xi32, #tpu.memory_space<hbm>>, %arg3: memref<320000xi32, #tpu.memory_space<hbm>>, %arg4: memref<2x10240x128xf32, #tpu.memory_space<hbm>>, %arg5: memref<80x128xf32, #tpu.memory_space<vmem>>, %arg6: memref<20000xi32, #tpu.memory_space<vmem>>, %arg7: memref<32x128xf32, #tpu.memory_space<vmem>>, %arg8: memref<10240x128xf32, #tpu.memory_space<vmem_shared>>) attributes {dimension_semantics = [#tpu.dimension_semantics<core_parallel>, #tpu.dimension_semantics<subcore_parallel>], iteration_bounds = array<i64: 2, 16>, scalar_prefetch = 0 : i64, scratch_operands = 4 : i64, tpu.core_type = #tpu.core_type<sc_vector_subcore>, window_params = [{transform_indices = #map}, {transform_indices = #map}, {transform_indices = #map1}]} {
    %broadcast_in_dim3A = arith.constant 1.000000e+00 : f32
    %broadcast_in_dim3A_0 = vector.broadcast %broadcast_in_dim3A : f32 to vector<16xf32>
    %scan3A = arith.constant 0 : i32
    %scan3A_1 = arith.constant 0 : i32
    %scan3A_2 = arith.constant 80 : i32
    %scan3A_3 = arith.addi %scan3A_1, %scan3A_2 : i32
    %scan3A_4 = arith.constant 1 : i32
    scf.for %scan3A_35 = %scan3A_1 to %scan3A_3 step %scan3A_4  : i32 {
      %scan3A_36 = arith.constant 0 : i32
      %scan3A_37 = arith.constant 8 : i32
      %scan3A_38 = arith.addi %scan3A_36, %scan3A_37 : i32
      %scan3A_39 = arith.constant 1 : i32
      scf.for %scan3A_41 = %scan3A_36 to %scan3A_38 step %scan3A_39  : i32 {
        %mul3A_42 = arith.constant 16 : i32
        %mul3A_43 = arith.muli %scan3A_41, %mul3A_42 : i32
        %swap3A = arith.index_cast %scan3A_35 : i32 to index
        %swap3A_44 = arith.index_cast %mul3A_43 : i32 to index
        %swap3A_45 = tpu.vector_load %arg5[%swap3A, %swap3A_44] {strides = array<i32>} : memref<80x128xf32, #tpu.memory_space<vmem>>, vector<1x16xf32>,
        %swap3A_46 = vector.shape_cast %swap3A_45 : vector<1x16xf32> to vector<16xf32>
        %swap3A_47 = vector.shape_cast %broadcast_in_dim3A_0 : vector<16xf32> to vector<1x16xf32>
        tpu.vector_store %arg5[%swap3A, %swap3A_44], %swap3A_47 {strides = array<i32>} : memref<80x128xf32, #tpu.memory_space<vmem>>, vector<1x16xf32>,
      }
      %scan3A_40 = arith.constant 8 : i32
    }
    %scan3A_5 = arith.constant 80 : i32
    %broadcast_in_dim3A_6 = arith.constant 0.000000e+00 : f32
    %broadcast_in_dim3A_7 = vector.broadcast %broadcast_in_dim3A_6 : f32 to vector<16xf32>
    %scan3A_8 = arith.constant 0 : i32
    %scan3A_9 = arith.constant 0 : i32
    %scan3A_10 = arith.constant 32 : i32
    %scan3A_11 = arith.addi %scan3A_9, %scan3A_10 : i32
    %scan3A_12 = arith.constant 1 : i32
    scf.for %scan3A_35 = %scan3A_9 to %scan3A_11 step %scan3A_12  : i32 {
      %scan3A_36 = arith.constant 0 : i32
      %scan3A_37 = arith.constant 8 : i32
      %scan3A_38 = arith.addi %scan3A_36, %scan3A_37 : i32
      %scan3A_39 = arith.constant 1 : i32
      scf.for %scan3A_41 = %scan3A_36 to %scan3A_38 step %scan3A_39  : i32 {
        %mul3A_42 = arith.constant 16 : i32
        %mul3A_43 = arith.muli %scan3A_41, %mul3A_42 : i32
        %swap3A = arith.index_cast %scan3A_35 : i32 to index
        %swap3A_44 = arith.index_cast %mul3A_43 : i32 to index
        %swap3A_45 = tpu.vector_load %arg7[%swap3A, %swap3A_44] {strides = array<i32>} : memref<32x128xf32, #tpu.memory_space<vmem>>, vector<1x16xf32>,
        %swap3A_46 = vector.shape_cast %swap3A_45 : vector<1x16xf32> to vector<16xf32>
        %swap3A_47 = vector.shape_cast %broadcast_in_dim3A_7 : vector<16xf32> to vector<1x16xf32>
        tpu.vector_store %arg7[%swap3A, %swap3A_44], %swap3A_47 {strides = array<i32>} : memref<32x128xf32, #tpu.memory_space<vmem>>, vector<1x16xf32>,
      }
      %scan3A_40 = arith.constant 8 : i32
    }
    %scan3A_13 = arith.constant 32 : i32
    %scan3A_14 = arith.constant 0 : i32
    %scan3A_15 = arith.constant 0 : i32
    %scan3A_16 = arith.constant 20 : i32
    %scan3A_17 = arith.addi %scan3A_15, %scan3A_16 : i32
    %scan3A_18 = arith.constant 1 : i32
    scf.for %scan3A_35 = %scan3A_15 to %scan3A_17 step %scan3A_18  : i32 {
      %mul3A_36 = arith.constant 640 : i32
      %mul3A_37 = arith.muli %arg1, %mul3A_36 : i32
      %mul3A_38 = arith.constant 32 : i32
      %mul3A_39 = arith.muli %scan3A_35, %mul3A_38 : i32
      %add3A = arith.addi %mul3A_37, %mul3A_39 : i32
      "tpu.region"() ({
        %run_scoped3A = tpu.sem_alloc : memref<!tpu.dma_semaphore, #tpu.memory_space<semaphore_mem>>
        %dma_start3A = arith.constant 0 : i32
        %dma_start3A_40 = tpu.memref_slice %arg8[%add3A, %dma_start3A] : memref<10240x128xf32, #tpu.memory_space<vmem_shared>> -> memref<32x128xf32, #tpu.memory_space<vmem_shared>>
        %dma_start3A_41 = arith.constant 0 : i32
        %dma_start3A_42 = tpu.memref_slice %arg8[%add3A, %dma_start3A_41] : memref<10240x128xf32, #tpu.memory_space<vmem_shared>> -> memref<32x128xf32, #tpu.memory_space<vmem_shared>>
        tpu.enqueue_dma source(%arg7 : memref<32x128xf32, #tpu.memory_space<vmem>>) target(%dma_start3A_42 : memref<32x128xf32, #tpu.memory_space<vmem_shared>>) target_semaphore(%run_scoped3A : memref<!tpu.dma_semaphore, #tpu.memory_space<semaphore_mem>>)
        %dma_wait3A = arith.constant 0 : i32
        %dma_wait3A_43 = tpu.memref_slice %arg8[%add3A, %dma_wait3A] : memref<10240x128xf32, #tpu.memory_space<vmem_shared>> -> memref<32x128xf32, #tpu.memory_space<vmem_shared>>
        %dma_wait3A_44 = arith.constant 0 : i32
        %dma_wait3A_45 = tpu.memref_slice %arg8[%add3A, %dma_wait3A_44] : memref<10240x128xf32, #tpu.memory_space<vmem_shared>> -> memref<32x128xf32, #tpu.memory_space<vmem_shared>>
        tpu.wait_dma2 semaphore(%run_scoped3A : memref<!tpu.dma_semaphore, #tpu.memory_space<semaphore_mem>>) src(%arg7 : memref<32x128xf32, #tpu.memory_space<vmem>>) dst(%dma_wait3A_45 : memref<32x128xf32, #tpu.memory_space<vmem_shared>>)
        tpu.yield
      }) : () -> ()
    }
    %scan3A_19 = arith.constant 20 : i32
    %eq3A = arith.constant 0 : i32
    %eq3A_20 = arith.cmpi eq, %arg0, %eq3A : i32
    %convert_element_type3A = arith.extui %eq3A_20 : i1 to i32
    %cond3A = arith.constant 0 : i32
    %cond3A_21 = arith.cmpi ne, %convert_element_type3A, %cond3A : i32
    scf.if %cond3A_21 {
      %mul3A_35 = arith.constant 20000 : i32
      %mul3A_36 = arith.muli %arg1, %mul3A_35 : i32
      "tpu.region"() ({
        %run_scoped3A = tpu.sem_alloc : memref<!tpu.dma_semaphore, #tpu.memory_space<semaphore_mem>>
        %dma_start3A = tpu.memref_slice %arg2[%mul3A_36] : memref<320000xi32, #tpu.memory_space<hbm>> -> memref<20000xi32, #tpu.memory_space<hbm>>
        %dma_start3A_37 = tpu.memref_slice %arg2[%mul3A_36] : memref<320000xi32, #tpu.memory_space<hbm>> -> memref<20000xi32, #tpu.memory_space<hbm>>
        tpu.enqueue_dma source(%dma_start3A_37 : memref<20000xi32, #tpu.memory_space<hbm>>) target(%arg6 : memref<20000xi32, #tpu.memory_space<vmem>>) target_semaphore(%run_scoped3A : memref<!tpu.dma_semaphore, #tpu.memory_space<semaphore_mem>>)
        %dma_wait3A = tpu.memref_slice %arg2[%mul3A_36] : memref<320000xi32, #tpu.memory_space<hbm>> -> memref<20000xi32, #tpu.memory_space<hbm>>
        %dma_wait3A_38 = tpu.memref_slice %arg2[%mul3A_36] : memref<320000xi32, #tpu.memory_space<hbm>> -> memref<20000xi32, #tpu.memory_space<hbm>>
        tpu.wait_dma2 semaphore(%run_scoped3A : memref<!tpu.dma_semaphore, #tpu.memory_space<semaphore_mem>>) src(%dma_wait3A_38 : memref<20000xi32, #tpu.memory_space<hbm>>) dst(%arg6 : memref<20000xi32, #tpu.memory_space<vmem>>)
        tpu.yield
      }) : () -> ()
    } else {
    }
    %eq3A_22 = arith.constant 1 : i32
    %eq3A_23 = arith.cmpi eq, %arg0, %eq3A_22 : i32
    %convert_element_type3A_24 = arith.extui %eq3A_23 : i1 to i32
    %cond3A_25 = arith.constant 0 : i32
    %cond3A_26 = arith.cmpi ne, %convert_element_type3A_24, %cond3A_25 : i32
    scf.if %cond3A_26 {
      %mul3A_35 = arith.constant 20000 : i32
      %mul3A_36 = arith.muli %arg1, %mul3A_35 : i32
      "tpu.region"() ({
        %run_scoped3A = tpu.sem_alloc : memref<!tpu.dma_semaphore, #tpu.memory_space<semaphore_mem>>
        %dma_start3A = tpu.memref_slice %arg3[%mul3A_36] : memref<320000xi32, #tpu.memory_space<hbm>> -> memref<20000xi32, #tpu.memory_space<hbm>>
        %dma_start3A_37 = tpu.memref_slice %arg3[%mul3A_36] : memref<320000xi32, #tpu.memory_space<hbm>> -> memref<20000xi32, #tpu.memory_space<hbm>>
        tpu.enqueue_dma source(%dma_start3A_37 : memref<20000xi32, #tpu.memory_space<hbm>>) target(%arg6 : memref<20000xi32, #tpu.memory_space<vmem>>) target_semaphore(%run_scoped3A : memref<!tpu.dma_semaphore, #tpu.memory_space<semaphore_mem>>)
        %dma_wait3A = tpu.memref_slice %arg3[%mul3A_36] : memref<320000xi32, #tpu.memory_space<hbm>> -> memref<20000xi32, #tpu.memory_space<hbm>>
        %dma_wait3A_38 = tpu.memref_slice %arg3[%mul3A_36] : memref<320000xi32, #tpu.memory_space<hbm>> -> memref<20000xi32, #tpu.memory_space<hbm>>
        tpu.wait_dma2 semaphore(%run_scoped3A : memref<!tpu.dma_semaphore, #tpu.memory_space<semaphore_mem>>) src(%dma_wait3A_38 : memref<20000xi32, #tpu.memory_space<hbm>>) dst(%arg6 : memref<20000xi32, #tpu.memory_space<vmem>>)
        tpu.yield
      }) : () -> ()
    } else {
    }
    %barrier3A = arith.constant 0 : index
    tpu.barrier barrier_id(%barrier3A)
    %scan3A_27 = arith.constant 0 : i32
    %scan3A_28 = arith.constant 0 : i32
    %scan3A_29 = arith.constant 250 : i32
    %scan3A_30 = arith.addi %scan3A_28, %scan3A_29 : i32
    %scan3A_31 = arith.constant 1 : i32
    scf.for %scan3A_35 = %scan3A_28 to %scan3A_30 step %scan3A_31  : i32 {
      %mul3A_36 = arith.constant 80 : i32
      %mul3A_37 = arith.muli %scan3A_35, %mul3A_36 : i32
      "tpu.region"() ({
        %run_scoped3A = tpu.sem_alloc : memref<!tpu.dma_semaphore, #tpu.memory_space<semaphore_mem>>
        %dma_start3A = tpu.memref_slice %arg6[%mul3A_37] : memref<20000xi32, #tpu.memory_space<vmem>> -> memref<80xi32, #tpu.memory_space<vmem>>
        %dma_start3A_38 = arith.constant 0 : i32
        %dma_start3A_39 = arith.constant 0 : i32
        %dma_start3A_40 = tpu.memref_slice %arg8[%dma_start3A_38, %dma_start3A_39] : memref<10240x128xf32, #tpu.memory_space<vmem_shared>> -> memref<10240x128xf32, #tpu.memory_space<vmem_shared>>
        tpu.enqueue_indirect_dma source(%arg5 : memref<80x128xf32, #tpu.memory_space<vmem>>) target(%dma_start3A_40 : memref<10240x128xf32, #tpu.memory_space<vmem_shared>>) offsets(%dma_start3A : memref<80xi32, #tpu.memory_space<vmem>>) semaphore(%run_scoped3A : memref<!tpu.dma_semaphore, #tpu.memory_space<semaphore_mem>>) {add = true}
        %dma_wait3A = tpu.memref_slice %arg6[%mul3A_37] : memref<20000xi32, #tpu.memory_space<vmem>> -> memref<80xi32, #tpu.memory_space<vmem>>
        %dma_wait3A_41 = arith.constant 0 : i32
        %dma_wait3A_42 = arith.constant 0 : i32
        %dma_wait3A_43 = tpu.memref_slice %arg8[%dma_wait3A_41, %dma_wait3A_42] : memref<10240x128xf32, #tpu.memory_space<vmem_shared>> -> memref<10240x128xf32, #tpu.memory_space<vmem_shared>>
        tpu.wait_indirect_dma semaphore(%run_scoped3A : memref<!tpu.dma_semaphore, #tpu.memory_space<semaphore_mem>>) src(%arg5 : memref<80x128xf32, #tpu.memory_space<vmem>>) dst(%dma_wait3A_43 : memref<10240x128xf32, #tpu.memory_space<vmem_shared>>)
        tpu.yield
      }) : () -> ()
    }
    %scan3A_32 = arith.constant 250 : i32
    %barrier3A_33 = arith.constant 0 : index
    tpu.barrier barrier_id(%barrier3A_33)
    %mul3A = arith.constant 640 : i32
    %mul3A_34 = arith.muli %arg1, %mul3A : i32
    "tpu.region"() ({
      %run_scoped3A = tpu.sem_alloc : memref<!tpu.dma_semaphore, #tpu.memory_space<semaphore_mem>>
      %dma_start3A = arith.constant 0 : i32
      %dma_start3A_35 = tpu.memref_slice %arg4[%arg0, %mul3A_34, %dma_start3A] : memref<2x10240x128xf32, #tpu.memory_space<hbm>> -> memref<1x640x128xf32, #tpu.memory_space<hbm>>
      %dma_start3A_36 = tpu.memref_squeeze %dma_start3A_35 : memref<1x640x128xf32, #tpu.memory_space<hbm>> -> memref<640x128xf32, #tpu.memory_space<hbm>>
      %dma_start3A_37 = arith.constant 0 : i32
      %dma_start3A_38 = tpu.memref_slice %arg8[%mul3A_34, %dma_start3A_37] : memref<10240x128xf32, #tpu.memory_space<vmem_shared>> -> memref<640x128xf32, #tpu.memory_space<vmem_shared>>
      tpu.enqueue_dma source(%dma_start3A_38 : memref<640x128xf32, #tpu.memory_space<vmem_shared>>) target(%dma_start3A_36 : memref<640x128xf32, #tpu.memory_space<hbm>>) target_semaphore(%run_scoped3A : memref<!tpu.dma_semaphore, #tpu.memory_space<semaphore_mem>>)
      %dma_wait3A = arith.constant 0 : i32
      %dma_wait3A_39 = tpu.memref_slice %arg4[%arg0, %mul3A_34, %dma_wait3A] : memref<2x10240x128xf32, #tpu.memory_space<hbm>> -> memref<1x640x128xf32, #tpu.memory_space<hbm>>
      %dma_wait3A_40 = tpu.memref_squeeze %dma_wait3A_39 : memref<1x640x128xf32, #tpu.memory_space<hbm>> -> memref<640x128xf32, #tpu.memory_space<hbm>>
      %dma_wait3A_41 = arith.constant 0 : i32
      %dma_wait3A_42 = tpu.memref_slice %arg8[%mul3A_34, %dma_wait3A_41] : memref<10240x128xf32, #tpu.memory_space<vmem_shared>> -> memref<640x128xf32, #tpu.memory_space<vmem_shared>>
      tpu.wait_dma2 semaphore(%run_scoped3A : memref<!tpu.dma_semaphore, #tpu.memory_space<semaphore_mem>>) src(%dma_wait3A_42 : memref<640x128xf32, #tpu.memory_space<vmem_shared>>) dst(%dma_wait3A_40 : memref<640x128xf32, #tpu.memory_space<hbm>>)
      tpu.yield
    }) : () -> ()
    return
  }
}

#map = affine_map<(d0, d1) -> (0, 0)>
#map1 = affine_map<(d0, d1) -> (0)>
#map2 = affine_map<(d0, d1) -> (0, 0, 0)>
module attributes {stable_mosaic.version = 14 : i64} {
  func.func @_sc_spmm_body(%arg0: i32, %arg1: i32, %arg2: memref<10000x128xf32, #tpu.memory_space<hbm>>, %arg3: memref<320000xi32, #tpu.memory_space<hbm>>, %arg4: memref<320000xi32, #tpu.memory_space<hbm>>, %arg5: memref<2x10240x128xf32, #tpu.memory_space<hbm>>, %arg6: memref<10000xi32, #tpu.memory_space<vmem>>, %arg7: memref<10000xi32, #tpu.memory_space<vmem>>, %arg8: memref<80x128xf32, #tpu.memory_space<vmem>>, %arg9: memref<!tpu.dma_semaphore, #tpu.memory_space<semaphore_mem>>, %arg10: memref<80x128xf32, #tpu.memory_space<vmem>>, %arg11: memref<!tpu.dma_semaphore, #tpu.memory_space<semaphore_mem>>, %arg12: memref<32x128xf32, #tpu.memory_space<vmem>>, %arg13: memref<10240x128xf32, #tpu.memory_space<vmem_shared>>) attributes {dimension_semantics = [#tpu.dimension_semantics<core_parallel>, #tpu.dimension_semantics<subcore_parallel>], iteration_bounds = array<i64: 2, 16>, scalar_prefetch = 0 : i64, scratch_operands = 8 : i64, tpu.core_type = #tpu.core_type<sc_vector_subcore>, window_params = [{transform_indices = #map}, {transform_indices = #map1}, {transform_indices = #map1}, {transform_indices = #map2}]} {
    %broadcast_in_dim3A = arith.constant 0.000000e+00 : f32
    %broadcast_in_dim3A_0 = vector.broadcast %broadcast_in_dim3A : f32 to vector<16xf32>
    %scan3A = arith.constant 0 : i32
    %scan3A_1 = arith.constant 0 : i32
    %scan3A_2 = arith.constant 32 : i32
    %scan3A_3 = arith.addi %scan3A_1, %scan3A_2 : i32
    %scan3A_4 = arith.constant 1 : i32
    scf.for %scan3A_32 = %scan3A_1 to %scan3A_3 step %scan3A_4  : i32 {
      %scan3A_33 = arith.constant 0 : i32
      %scan3A_34 = arith.constant 8 : i32
      %scan3A_35 = arith.addi %scan3A_33, %scan3A_34 : i32
      %scan3A_36 = arith.constant 1 : i32
      scf.for %scan3A_38 = %scan3A_33 to %scan3A_35 step %scan3A_36  : i32 {
        %mul3A_39 = arith.constant 16 : i32
        %mul3A_40 = arith.muli %scan3A_38, %mul3A_39 : i32
        %swap3A = arith.index_cast %scan3A_32 : i32 to index
        %swap3A_41 = arith.index_cast %mul3A_40 : i32 to index
        %swap3A_42 = tpu.vector_load %arg12[%swap3A, %swap3A_41] {strides = array<i32>} : memref<32x128xf32, #tpu.memory_space<vmem>>, vector<1x16xf32>,
        %swap3A_43 = vector.shape_cast %swap3A_42 : vector<1x16xf32> to vector<16xf32>
        %swap3A_44 = vector.shape_cast %broadcast_in_dim3A_0 : vector<16xf32> to vector<1x16xf32>
        tpu.vector_store %arg12[%swap3A, %swap3A_41], %swap3A_44 {strides = array<i32>} : memref<32x128xf32, #tpu.memory_space<vmem>>, vector<1x16xf32>,
      }
      %scan3A_37 = arith.constant 8 : i32
    }
    %scan3A_5 = arith.constant 32 : i32
    %scan3A_6 = arith.constant 0 : i32
    %scan3A_7 = arith.constant 0 : i32
    %scan3A_8 = arith.constant 20 : i32
    %scan3A_9 = arith.addi %scan3A_7, %scan3A_8 : i32
    %scan3A_10 = arith.constant 1 : i32
    scf.for %scan3A_32 = %scan3A_7 to %scan3A_9 step %scan3A_10  : i32 {
      %mul3A_33 = arith.constant 640 : i32
      %mul3A_34 = arith.muli %arg1, %mul3A_33 : i32
      %mul3A_35 = arith.constant 32 : i32
      %mul3A_36 = arith.muli %scan3A_32, %mul3A_35 : i32
      %add3A_37 = arith.addi %mul3A_34, %mul3A_36 : i32
      "tpu.region"() ({
        %run_scoped3A = tpu.sem_alloc : memref<!tpu.dma_semaphore, #tpu.memory_space<semaphore_mem>>
        %dma_start3A_38 = arith.constant 0 : i32
        %dma_start3A_39 = tpu.memref_slice %arg13[%add3A_37, %dma_start3A_38] : memref<10240x128xf32, #tpu.memory_space<vmem_shared>> -> memref<32x128xf32, #tpu.memory_space<vmem_shared>>
        %dma_start3A_40 = arith.constant 0 : i32
        %dma_start3A_41 = tpu.memref_slice %arg13[%add3A_37, %dma_start3A_40] : memref<10240x128xf32, #tpu.memory_space<vmem_shared>> -> memref<32x128xf32, #tpu.memory_space<vmem_shared>>
        tpu.enqueue_dma source(%arg12 : memref<32x128xf32, #tpu.memory_space<vmem>>) target(%dma_start3A_41 : memref<32x128xf32, #tpu.memory_space<vmem_shared>>) target_semaphore(%run_scoped3A : memref<!tpu.dma_semaphore, #tpu.memory_space<semaphore_mem>>)
        %dma_wait3A_42 = arith.constant 0 : i32
        %dma_wait3A_43 = tpu.memref_slice %arg13[%add3A_37, %dma_wait3A_42] : memref<10240x128xf32, #tpu.memory_space<vmem_shared>> -> memref<32x128xf32, #tpu.memory_space<vmem_shared>>
        %dma_wait3A_44 = arith.constant 0 : i32
        %dma_wait3A_45 = tpu.memref_slice %arg13[%add3A_37, %dma_wait3A_44] : memref<10240x128xf32, #tpu.memory_space<vmem_shared>> -> memref<32x128xf32, #tpu.memory_space<vmem_shared>>
        tpu.wait_dma2 semaphore(%run_scoped3A : memref<!tpu.dma_semaphore, #tpu.memory_space<semaphore_mem>>) src(%arg12 : memref<32x128xf32, #tpu.memory_space<vmem>>) dst(%dma_wait3A_45 : memref<32x128xf32, #tpu.memory_space<vmem_shared>>)
        tpu.yield
      }) : () -> ()
    }
    %scan3A_11 = arith.constant 20 : i32
    %mul3A = arith.constant 160000 : i32
    %mul3A_12 = arith.muli %arg0, %mul3A : i32
    %mul3A_13 = arith.constant 10000 : i32
    %mul3A_14 = arith.muli %arg1, %mul3A_13 : i32
    %add3A = arith.addi %mul3A_12, %mul3A_14 : i32
    "tpu.region"() ({
      %run_scoped3A = tpu.sem_alloc : memref<!tpu.dma_semaphore, #tpu.memory_space<semaphore_mem>>
      %dma_start3A_32 = tpu.memref_slice %arg3[%add3A] : memref<320000xi32, #tpu.memory_space<hbm>> -> memref<10000xi32, #tpu.memory_space<hbm>>
      %dma_start3A_33 = tpu.memref_slice %arg3[%add3A] : memref<320000xi32, #tpu.memory_space<hbm>> -> memref<10000xi32, #tpu.memory_space<hbm>>
      tpu.enqueue_dma source(%dma_start3A_33 : memref<10000xi32, #tpu.memory_space<hbm>>) target(%arg6 : memref<10000xi32, #tpu.memory_space<vmem>>) target_semaphore(%run_scoped3A : memref<!tpu.dma_semaphore, #tpu.memory_space<semaphore_mem>>)
      %dma_wait3A_34 = tpu.memref_slice %arg3[%add3A] : memref<320000xi32, #tpu.memory_space<hbm>> -> memref<10000xi32, #tpu.memory_space<hbm>>
      %dma_wait3A_35 = tpu.memref_slice %arg3[%add3A] : memref<320000xi32, #tpu.memory_space<hbm>> -> memref<10000xi32, #tpu.memory_space<hbm>>
      tpu.wait_dma2 semaphore(%run_scoped3A : memref<!tpu.dma_semaphore, #tpu.memory_space<semaphore_mem>>) src(%dma_wait3A_35 : memref<10000xi32, #tpu.memory_space<hbm>>) dst(%arg6 : memref<10000xi32, #tpu.memory_space<vmem>>)
      tpu.yield
    }) : () -> ()
    "tpu.region"() ({
      %run_scoped3A = tpu.sem_alloc : memref<!tpu.dma_semaphore, #tpu.memory_space<semaphore_mem>>
      %dma_start3A_32 = tpu.memref_slice %arg4[%add3A] : memref<320000xi32, #tpu.memory_space<hbm>> -> memref<10000xi32, #tpu.memory_space<hbm>>
      %dma_start3A_33 = tpu.memref_slice %arg4[%add3A] : memref<320000xi32, #tpu.memory_space<hbm>> -> memref<10000xi32, #tpu.memory_space<hbm>>
      tpu.enqueue_dma source(%dma_start3A_33 : memref<10000xi32, #tpu.memory_space<hbm>>) target(%arg7 : memref<10000xi32, #tpu.memory_space<vmem>>) target_semaphore(%run_scoped3A : memref<!tpu.dma_semaphore, #tpu.memory_space<semaphore_mem>>)
      %dma_wait3A_34 = tpu.memref_slice %arg4[%add3A] : memref<320000xi32, #tpu.memory_space<hbm>> -> memref<10000xi32, #tpu.memory_space<hbm>>
      %dma_wait3A_35 = tpu.memref_slice %arg4[%add3A] : memref<320000xi32, #tpu.memory_space<hbm>> -> memref<10000xi32, #tpu.memory_space<hbm>>
      tpu.wait_dma2 semaphore(%run_scoped3A : memref<!tpu.dma_semaphore, #tpu.memory_space<semaphore_mem>>) src(%dma_wait3A_35 : memref<10000xi32, #tpu.memory_space<hbm>>) dst(%arg7 : memref<10000xi32, #tpu.memory_space<vmem>>)
      tpu.yield
    }) : () -> ()
    %barrier3A = arith.constant 0 : index
    tpu.barrier barrier_id(%barrier3A)
    %dma_start3A = arith.constant 0 : i32
    %dma_start3A_15 = tpu.memref_slice %arg6[%dma_start3A] : memref<10000xi32, #tpu.memory_space<vmem>> -> memref<80xi32, #tpu.memory_space<vmem>>
    %dma_start3A_16 = arith.constant 0 : i32
    %dma_start3A_17 = arith.constant 0 : i32
    %dma_start3A_18 = tpu.memref_slice %arg2[%dma_start3A_16, %dma_start3A_17] : memref<10000x128xf32, #tpu.memory_space<hbm>> -> memref<10000x128xf32, #tpu.memory_space<hbm>>
    tpu.enqueue_indirect_dma source(%dma_start3A_18 : memref<10000x128xf32, #tpu.memory_space<hbm>>) target(%arg8 : memref<80x128xf32, #tpu.memory_space<vmem>>) offsets(%dma_start3A_15 : memref<80xi32, #tpu.memory_space<vmem>>) semaphore(%arg9 : memref<!tpu.dma_semaphore, #tpu.memory_space<semaphore_mem>>)
    %scan3A_19 = arith.constant 0 : i32
    %scan3A_20 = arith.constant 0 : i32
    %scan3A_21 = arith.constant 62 : i32
    %scan3A_22 = arith.addi %scan3A_20, %scan3A_21 : i32
    %scan3A_23 = arith.constant 1 : i32
    scf.for %scan3A_32 = %scan3A_20 to %scan3A_22 step %scan3A_23  : i32 {
      %mul3A_33 = arith.constant 2 : i32
      %mul3A_34 = arith.muli %mul3A_33, %scan3A_32 : i32
      %add3A_35 = arith.constant 1 : i32
      %add3A_36 = arith.addi %mul3A_34, %add3A_35 : i32
      %mul3A_37 = arith.constant 80 : i32
      %mul3A_38 = arith.muli %add3A_36, %mul3A_37 : i32
      %dma_start3A_39 = tpu.memref_slice %arg6[%mul3A_38] : memref<10000xi32, #tpu.memory_space<vmem>> -> memref<80xi32, #tpu.memory_space<vmem>>
      %dma_start3A_40 = arith.constant 0 : i32
      %dma_start3A_41 = arith.constant 0 : i32
      %dma_start3A_42 = tpu.memref_slice %arg2[%dma_start3A_40, %dma_start3A_41] : memref<10000x128xf32, #tpu.memory_space<hbm>> -> memref<10000x128xf32, #tpu.memory_space<hbm>>
      tpu.enqueue_indirect_dma source(%dma_start3A_42 : memref<10000x128xf32, #tpu.memory_space<hbm>>) target(%arg10 : memref<80x128xf32, #tpu.memory_space<vmem>>) offsets(%dma_start3A_39 : memref<80xi32, #tpu.memory_space<vmem>>) semaphore(%arg11 : memref<!tpu.dma_semaphore, #tpu.memory_space<semaphore_mem>>)
      %mul3A_43 = arith.constant 80 : i32
      %mul3A_44 = arith.muli %mul3A_34, %mul3A_43 : i32
      %dma_wait3A_45 = tpu.memref_slice %arg6[%mul3A_44] : memref<10000xi32, #tpu.memory_space<vmem>> -> memref<80xi32, #tpu.memory_space<vmem>>
      %dma_wait3A_46 = arith.constant 0 : i32
      %dma_wait3A_47 = arith.constant 0 : i32
      %dma_wait3A_48 = tpu.memref_slice %arg2[%dma_wait3A_46, %dma_wait3A_47] : memref<10000x128xf32, #tpu.memory_space<hbm>> -> memref<10000x128xf32, #tpu.memory_space<hbm>>
      tpu.wait_indirect_dma semaphore(%arg9 : memref<!tpu.dma_semaphore, #tpu.memory_space<semaphore_mem>>) src(%dma_wait3A_48 : memref<10000x128xf32, #tpu.memory_space<hbm>>) dst(%arg8 : memref<80x128xf32, #tpu.memory_space<vmem>>)
      %mul3A_49 = arith.constant 80 : i32
      %mul3A_50 = arith.muli %mul3A_34, %mul3A_49 : i32
      "tpu.region"() ({
        %run_scoped3A = tpu.sem_alloc : memref<!tpu.dma_semaphore, #tpu.memory_space<semaphore_mem>>
        %dma_start3A_71 = tpu.memref_slice %arg7[%mul3A_50] : memref<10000xi32, #tpu.memory_space<vmem>> -> memref<80xi32, #tpu.memory_space<vmem>>
        %dma_start3A_72 = arith.constant 0 : i32
        %dma_start3A_73 = arith.constant 0 : i32
        %dma_start3A_74 = tpu.memref_slice %arg13[%dma_start3A_72, %dma_start3A_73] : memref<10240x128xf32, #tpu.memory_space<vmem_shared>> -> memref<10240x128xf32, #tpu.memory_space<vmem_shared>>
        tpu.enqueue_indirect_dma source(%arg8 : memref<80x128xf32, #tpu.memory_space<vmem>>) target(%dma_start3A_74 : memref<10240x128xf32, #tpu.memory_space<vmem_shared>>) offsets(%dma_start3A_71 : memref<80xi32, #tpu.memory_space<vmem>>) semaphore(%run_scoped3A : memref<!tpu.dma_semaphore, #tpu.memory_space<semaphore_mem>>) {add = true}
        %dma_wait3A_75 = tpu.memref_slice %arg7[%mul3A_50] : memref<10000xi32, #tpu.memory_space<vmem>> -> memref<80xi32, #tpu.memory_space<vmem>>
        %dma_wait3A_76 = arith.constant 0 : i32
        %dma_wait3A_77 = arith.constant 0 : i32
        %dma_wait3A_78 = tpu.memref_slice %arg13[%dma_wait3A_76, %dma_wait3A_77] : memref<10240x128xf32, #tpu.memory_space<vmem_shared>> -> memref<10240x128xf32, #tpu.memory_space<vmem_shared>>
        tpu.wait_indirect_dma semaphore(%run_scoped3A : memref<!tpu.dma_semaphore, #tpu.memory_space<semaphore_mem>>) src(%arg8 : memref<80x128xf32, #tpu.memory_space<vmem>>) dst(%dma_wait3A_78 : memref<10240x128xf32, #tpu.memory_space<vmem_shared>>)
        tpu.yield
      }) : () -> ()
      %add3A_51 = arith.constant 2 : i32
      %add3A_52 = arith.addi %mul3A_34, %add3A_51 : i32
      %mul3A_53 = arith.constant 80 : i32
      %mul3A_54 = arith.muli %add3A_52, %mul3A_53 : i32
      %dma_start3A_55 = tpu.memref_slice %arg6[%mul3A_54] : memref<10000xi32, #tpu.memory_space<vmem>> -> memref<80xi32, #tpu.memory_space<vmem>>
      %dma_start3A_56 = arith.constant 0 : i32
      %dma_start3A_57 = arith.constant 0 : i32
      %dma_start3A_58 = tpu.memref_slice %arg2[%dma_start3A_56, %dma_start3A_57] : memref<10000x128xf32, #tpu.memory_space<hbm>> -> memref<10000x128xf32, #tpu.memory_space<hbm>>
      tpu.enqueue_indirect_dma source(%dma_start3A_58 : memref<10000x128xf32, #tpu.memory_space<hbm>>) target(%arg8 : memref<80x128xf32, #tpu.memory_space<vmem>>) offsets(%dma_start3A_55 : memref<80xi32, #tpu.memory_space<vmem>>) semaphore(%arg9 : memref<!tpu.dma_semaphore, #tpu.memory_space<semaphore_mem>>)
      %add3A_59 = arith.constant 1 : i32
      %add3A_60 = arith.addi %mul3A_34, %add3A_59 : i32
      %mul3A_61 = arith.constant 80 : i32
      %mul3A_62 = arith.muli %add3A_60, %mul3A_61 : i32
      %dma_wait3A_63 = tpu.memref_slice %arg6[%mul3A_62] : memref<10000xi32, #tpu.memory_space<vmem>> -> memref<80xi32, #tpu.memory_space<vmem>>
      %dma_wait3A_64 = arith.constant 0 : i32
      %dma_wait3A_65 = arith.constant 0 : i32
      %dma_wait3A_66 = tpu.memref_slice %arg2[%dma_wait3A_64, %dma_wait3A_65] : memref<10000x128xf32, #tpu.memory_space<hbm>> -> memref<10000x128xf32, #tpu.memory_space<hbm>>
      tpu.wait_indirect_dma semaphore(%arg11 : memref<!tpu.dma_semaphore, #tpu.memory_space<semaphore_mem>>) src(%dma_wait3A_66 : memref<10000x128xf32, #tpu.memory_space<hbm>>) dst(%arg10 : memref<80x128xf32, #tpu.memory_space<vmem>>)
      %add3A_67 = arith.constant 1 : i32
      %add3A_68 = arith.addi %mul3A_34, %add3A_67 : i32
      %mul3A_69 = arith.constant 80 : i32
      %mul3A_70 = arith.muli %add3A_68, %mul3A_69 : i32
      "tpu.region"() ({
        %run_scoped3A = tpu.sem_alloc : memref<!tpu.dma_semaphore, #tpu.memory_space<semaphore_mem>>
        %dma_start3A_71 = tpu.memref_slice %arg7[%mul3A_70] : memref<10000xi32, #tpu.memory_space<vmem>> -> memref<80xi32, #tpu.memory_space<vmem>>
        %dma_start3A_72 = arith.constant 0 : i32
        %dma_start3A_73 = arith.constant 0 : i32
        %dma_start3A_74 = tpu.memref_slice %arg13[%dma_start3A_72, %dma_start3A_73] : memref<10240x128xf32, #tpu.memory_space<vmem_shared>> -> memref<10240x128xf32, #tpu.memory_space<vmem_shared>>
        tpu.enqueue_indirect_dma source(%arg10 : memref<80x128xf32, #tpu.memory_space<vmem>>) target(%dma_start3A_74 : memref<10240x128xf32, #tpu.memory_space<vmem_shared>>) offsets(%dma_start3A_71 : memref<80xi32, #tpu.memory_space<vmem>>) semaphore(%run_scoped3A : memref<!tpu.dma_semaphore, #tpu.memory_space<semaphore_mem>>) {add = true}
        %dma_wait3A_75 = tpu.memref_slice %arg7[%mul3A_70] : memref<10000xi32, #tpu.memory_space<vmem>> -> memref<80xi32, #tpu.memory_space<vmem>>
        %dma_wait3A_76 = arith.constant 0 : i32
        %dma_wait3A_77 = arith.constant 0 : i32
        %dma_wait3A_78 = tpu.memref_slice %arg13[%dma_wait3A_76, %dma_wait3A_77] : memref<10240x128xf32, #tpu.memory_space<vmem_shared>> -> memref<10240x128xf32, #tpu.memory_space<vmem_shared>>
        tpu.wait_indirect_dma semaphore(%run_scoped3A : memref<!tpu.dma_semaphore, #tpu.memory_space<semaphore_mem>>) src(%arg10 : memref<80x128xf32, #tpu.memory_space<vmem>>) dst(%dma_wait3A_78 : memref<10240x128xf32, #tpu.memory_space<vmem_shared>>)
        tpu.yield
      }) : () -> ()
    }
    %scan3A_24 = arith.constant 62 : i32
    %dma_wait3A = arith.constant 9920 : i32
    %dma_wait3A_25 = tpu.memref_slice %arg6[%dma_wait3A] : memref<10000xi32, #tpu.memory_space<vmem>> -> memref<80xi32, #tpu.memory_space<vmem>>
    %dma_wait3A_26 = arith.constant 0 : i32
    %dma_wait3A_27 = arith.constant 0 : i32
    %dma_wait3A_28 = tpu.memref_slice %arg2[%dma_wait3A_26, %dma_wait3A_27] : memref<10000x128xf32, #tpu.memory_space<hbm>> -> memref<10000x128xf32, #tpu.memory_space<hbm>>
    tpu.wait_indirect_dma semaphore(%arg9 : memref<!tpu.dma_semaphore, #tpu.memory_space<semaphore_mem>>) src(%dma_wait3A_28 : memref<10000x128xf32, #tpu.memory_space<hbm>>) dst(%arg8 : memref<80x128xf32, #tpu.memory_space<vmem>>)
    "tpu.region"() ({
      %run_scoped3A = tpu.sem_alloc : memref<!tpu.dma_semaphore, #tpu.memory_space<semaphore_mem>>
      %dma_start3A_32 = arith.constant 9920 : i32
      %dma_start3A_33 = tpu.memref_slice %arg7[%dma_start3A_32] : memref<10000xi32, #tpu.memory_space<vmem>> -> memref<80xi32, #tpu.memory_space<vmem>>
      %dma_start3A_34 = arith.constant 0 : i32
      %dma_start3A_35 = arith.constant 0 : i32
      %dma_start3A_36 = tpu.memref_slice %arg13[%dma_start3A_34, %dma_start3A_35] : memref<10240x128xf32, #tpu.memory_space<vmem_shared>> -> memref<10240x128xf32, #tpu.memory_space<vmem_shared>>
      tpu.enqueue_indirect_dma source(%arg8 : memref<80x128xf32, #tpu.memory_space<vmem>>) target(%dma_start3A_36 : memref<10240x128xf32, #tpu.memory_space<vmem_shared>>) offsets(%dma_start3A_33 : memref<80xi32, #tpu.memory_space<vmem>>) semaphore(%run_scoped3A : memref<!tpu.dma_semaphore, #tpu.memory_space<semaphore_mem>>) {add = true}
      %dma_wait3A_37 = arith.constant 9920 : i32
      %dma_wait3A_38 = tpu.memref_slice %arg7[%dma_wait3A_37] : memref<10000xi32, #tpu.memory_space<vmem>> -> memref<80xi32, #tpu.memory_space<vmem>>
      %dma_wait3A_39 = arith.constant 0 : i32
      %dma_wait3A_40 = arith.constant 0 : i32
      %dma_wait3A_41 = tpu.memref_slice %arg13[%dma_wait3A_39, %dma_wait3A_40] : memref<10240x128xf32, #tpu.memory_space<vmem_shared>> -> memref<10240x128xf32, #tpu.memory_space<vmem_shared>>
      tpu.wait_indirect_dma semaphore(%run_scoped3A : memref<!tpu.dma_semaphore, #tpu.memory_space<semaphore_mem>>) src(%arg8 : memref<80x128xf32, #tpu.memory_space<vmem>>) dst(%dma_wait3A_41 : memref<10240x128xf32, #tpu.memory_space<vmem_shared>>)
      tpu.yield
    }) : () -> ()
    %barrier3A_29 = arith.constant 0 : index
    tpu.barrier barrier_id(%barrier3A_29)
    %mul3A_30 = arith.constant 640 : i32
    %mul3A_31 = arith.muli %arg1, %mul3A_30 : i32
    "tpu.region"() ({
      %run_scoped3A = tpu.sem_alloc : memref<!tpu.dma_semaphore, #tpu.memory_space<semaphore_mem>>
      %dma_start3A_32 = arith.constant 0 : i32
      %dma_start3A_33 = tpu.memref_slice %arg5[%arg0, %mul3A_31, %dma_start3A_32] : memref<2x10240x128xf32, #tpu.memory_space<hbm>> -> memref<1x640x128xf32, #tpu.memory_space<hbm>>
      %dma_start3A_34 = tpu.memref_squeeze %dma_start3A_33 : memref<1x640x128xf32, #tpu.memory_space<hbm>> -> memref<640x128xf32, #tpu.memory_space<hbm>>
      %dma_start3A_35 = arith.constant 0 : i32
      %dma_start3A_36 = tpu.memref_slice %arg13[%mul3A_31, %dma_start3A_35] : memref<10240x128xf32, #tpu.memory_space<vmem_shared>> -> memref<640x128xf32, #tpu.memory_space<vmem_shared>>
      tpu.enqueue_dma source(%dma_start3A_36 : memref<640x128xf32, #tpu.memory_space<vmem_shared>>) target(%dma_start3A_34 : memref<640x128xf32, #tpu.memory_space<hbm>>) target_semaphore(%run_scoped3A : memref<!tpu.dma_semaphore, #tpu.memory_space<semaphore_mem>>)
      %dma_wait3A_37 = arith.constant 0 : i32
      %dma_wait3A_38 = tpu.memref_slice %arg5[%arg0, %mul3A_31, %dma_wait3A_37] : memref<2x10240x128xf32, #tpu.memory_space<hbm>> -> memref<1x640x128xf32, #tpu.memory_space<hbm>>
      %dma_wait3A_39 = tpu.memref_squeeze %dma_wait3A_38 : memref<1x640x128xf32, #tpu.memory_space<hbm>> -> memref<640x128xf32, #tpu.memory_space<hbm>>
      %dma_wait3A_40 = arith.constant 0 : i32
      %dma_wait3A_41 = tpu.memref_slice %arg13[%mul3A_31, %dma_wait3A_40] : memref<10240x128xf32, #tpu.memory_space<vmem_shared>> -> memref<640x128xf32, #tpu.memory_space<vmem_shared>>
      tpu.wait_dma2 semaphore(%run_scoped3A : memref<!tpu.dma_semaphore, #tpu.memory_space<semaphore_mem>>) src(%dma_wait3A_41 : memref<640x128xf32, #tpu.memory_space<vmem_shared>>) dst(%dma_wait3A_39 : memref<640x128xf32, #tpu.memory_space<hbm>>)
      tpu.yield
    }) : () -> ()
    return
  }
}

module attributes {stable_mosaic.version = 14 : i64} {
  func.func @_tc_layer_body(%arg0: i32, %arg1: memref<2x2000x128xf32, #tpu.memory_space<vmem>>, %arg2: memref<2x2000x128xf32, #tpu.memory_space<vmem>>, %arg3: memref<128x128xf32, #tpu.memory_space<vmem>>, %arg4: memref<1x128xf32, #tpu.memory_space<vmem>>, %arg5: memref<1x128xf32, #tpu.memory_space<vmem>>, %arg6: memref<1x128xf32, #tpu.memory_space<vmem>>, %arg7: memref<2000x128xf32, #tpu.memory_space<vmem>>, %arg8: memref<2000x128xf32, #tpu.memory_space<vmem>>) attributes {dimension_semantics = [#tpu.dimension_semantics<arbitrary>], iteration_bounds = array<i64: 5>, scalar_prefetch = 0 : i64, scratch_operands = 0 : i64, tpu.core_type = #tpu.core_type<tc>, window_params = [{transform_indices = @transform_0, window_bounds = array<i64: 2, 2000, 128>}, {transform_indices = @transform_1, window_bounds = array<i64: 2, 2000, 128>}, {pipeline_mode = #tpu.pipeline_mode<synchronous>, transform_indices = @transform_2, window_bounds = array<i64: 128, 128>}, {pipeline_mode = #tpu.pipeline_mode<synchronous>, transform_indices = @transform_3, window_bounds = array<i64: 1, 128>}, {pipeline_mode = #tpu.pipeline_mode<synchronous>, transform_indices = @transform_4, window_bounds = array<i64: 1, 128>}, {pipeline_mode = #tpu.pipeline_mode<synchronous>, transform_indices = @transform_5, window_bounds = array<i64: 1, 128>}, {transform_indices = @transform_6, window_bounds = array<i64: 2000, 128>}, {transform_indices = @transform_7, window_bounds = array<i64: 2000, 128>}]} {
    %get3A = arith.constant 0 : index
    %get3A_0 = arith.constant 0 : index
    %get3A_1 = arith.constant 0 : index
    %get3A_2 = vector.load %arg2[%get3A, %get3A_0, %get3A_1] : memref<2x2000x128xf32, #tpu.memory_space<vmem>>, vector<2x2000x128xf32>
    %slice3A = vector.extract_strided_slice %get3A_2 {offsets = [1, 0, 0], sizes = [1, 2000, 1], strides = [1, 1, 1]} : vector<2x2000x128xf32> to vector<1x2000x1xf32>
    %squeeze3A = vector.shape_cast %slice3A : vector<1x2000x1xf32> to vector<2000x1xf32>
    %gt3A = arith.constant 0.000000e+00 : f32
    %gt3A_3 = vector.broadcast %gt3A : f32 to vector<2000x1xf32>
    %gt3A_4 = arith.cmpf ogt, %squeeze3A, %gt3A_3 : vector<2000x1xf32>
    %jit3A = arith.constant 1.000000e+00 : f32
    %broadcast_in_dim3A = vector.broadcast %jit3A : f32 to vector<2000x1xf32>
    %select_n3A = arith.select %gt3A_4, %squeeze3A, %broadcast_in_dim3A : vector<2000x1xi1>, vector<2000x1xf32>
    %rsqrt3A = math.rsqrt %select_n3A : vector<2000x1xf32>
    %get3A_5 = arith.constant 0 : index
    %get3A_6 = arith.constant 0 : index
    %get3A_7 = arith.constant 0 : index
    %get3A_8 = vector.load %arg1[%get3A_5, %get3A_6, %get3A_7] : memref<2x2000x128xf32, #tpu.memory_space<vmem>>, vector<1x2000x128xf32>
    %get3A_9 = vector.shape_cast %get3A_8 : vector<1x2000x128xf32> to vector<2000x128xf32>
    %get3A_10 = arith.constant 1 : index
    %get3A_11 = arith.constant 0 : index
    %get3A_12 = arith.constant 0 : index
    %get3A_13 = vector.load %arg1[%get3A_10, %get3A_11, %get3A_12] : memref<2x2000x128xf32, #tpu.memory_space<vmem>>, vector<1x2000x128xf32>
    %get3A_14 = vector.shape_cast %get3A_13 : vector<1x2000x128xf32> to vector<2000x128xf32>
    %add3A = arith.addf %get3A_9, %get3A_14 : vector<2000x128xf32>
    %mul3A = vector.broadcast %rsqrt3A : vector<2000x1xf32> to vector<2000x128xf32>
    %mul3A_15 = arith.mulf %add3A, %mul3A : vector<2000x128xf32>
    %get3A_16 = arith.constant 0 : index
    %get3A_17 = arith.constant 0 : index
    %get3A_18 = vector.load %arg3[%get3A_16, %get3A_17] : memref<128x128xf32, #tpu.memory_space<vmem>>, vector<128x128xf32>
    %dot_general3A = arith.constant dense<0.000000e+00> : vector<2000x128xf32>
    %dot_general3A_19 = tpu.matmul %mul3A_15, %get3A_18, %dot_general3A {dimension_numbers = #tpu.dot_dimension_numbers<[1], [0], [0], [1], [0, 0, 1, 1], [], []>, transpose_lhs_hint = false} : vector<2000x128xf32>, vector<128x128xf32>, vector<2000x128xf32> -> vector<2000x128xf32>
    %get3A_20 = arith.constant 0 : index
    %get3A_21 = arith.constant 0 : index
    %get3A_22 = vector.load %arg4[%get3A_20, %get3A_21] : memref<1x128xf32, #tpu.memory_space<vmem>>, vector<1x128xf32>
    %add3A_23 = vector.broadcast %get3A_22 : vector<1x128xf32> to vector<2000x128xf32>
    %add3A_24 = arith.addf %dot_general3A_19, %add3A_23 : vector<2000x128xf32>
    %reduce_sum3A = arith.constant dense<0.000000e+00> : vector<2000xf32>
    %reduce_sum3A_25 = vector.multi_reduction <add>, %add3A_24, %reduce_sum3A [1] : vector<2000x128xf32> to vector<2000xf32>
    %broadcast_in_dim3A_26 = vector.shape_cast %reduce_sum3A_25 : vector<2000xf32> to vector<2000x1xf32>
    %div3A = arith.constant 1.280000e+02 : f32
    %div3A_27 = vector.broadcast %div3A : f32 to vector<2000x1xf32>
    %div3A_28 = arith.divf %broadcast_in_dim3A_26, %div3A_27 : vector<2000x1xf32>
    %sub3A = vector.broadcast %div3A_28 : vector<2000x1xf32> to vector<2000x128xf32>
    %sub3A_29 = arith.subf %add3A_24, %sub3A : vector<2000x128xf32>
    %integer_pow3A = arith.mulf %sub3A_29, %sub3A_29 : vector<2000x128xf32>
    %reduce_sum3A_30 = arith.constant dense<0.000000e+00> : vector<2000xf32>
    %reduce_sum3A_31 = vector.multi_reduction <add>, %integer_pow3A, %reduce_sum3A_30 [1] : vector<2000x128xf32> to vector<2000xf32>
    %broadcast_in_dim3A_32 = vector.shape_cast %reduce_sum3A_31 : vector<2000xf32> to vector<2000x1xf32>
    %div3A_33 = arith.constant 1.280000e+02 : f32
    %div3A_34 = vector.broadcast %div3A_33 : f32 to vector<2000x1xf32>
    %div3A_35 = arith.divf %broadcast_in_dim3A_32, %div3A_34 : vector<2000x1xf32>
    %sub3A_36 = vector.broadcast %div3A_28 : vector<2000x1xf32> to vector<2000x128xf32>
    %sub3A_37 = arith.subf %add3A_24, %sub3A_36 : vector<2000x128xf32>
    %add3A_38 = arith.constant 9.99999974E-6 : f32
    %add3A_39 = vector.broadcast %add3A_38 : f32 to vector<2000x1xf32>
    %add3A_40 = arith.addf %div3A_35, %add3A_39 : vector<2000x1xf32>
    %rsqrt3A_41 = math.rsqrt %add3A_40 : vector<2000x1xf32>
    %mul3A_42 = vector.broadcast %rsqrt3A_41 : vector<2000x1xf32> to vector<2000x128xf32>
    %mul3A_43 = arith.mulf %sub3A_37, %mul3A_42 : vector<2000x128xf32>
    %get3A_44 = arith.constant 0 : index
    %get3A_45 = arith.constant 0 : index
    %get3A_46 = vector.load %arg5[%get3A_44, %get3A_45] : memref<1x128xf32, #tpu.memory_space<vmem>>, vector<1x128xf32>
    %mul3A_47 = vector.broadcast %get3A_46 : vector<1x128xf32> to vector<2000x128xf32>
    %mul3A_48 = arith.mulf %mul3A_43, %mul3A_47 : vector<2000x128xf32>
    %get3A_49 = arith.constant 0 : index
    %get3A_50 = arith.constant 0 : index
    %get3A_51 = vector.load %arg6[%get3A_49, %get3A_50] : memref<1x128xf32, #tpu.memory_space<vmem>>, vector<1x128xf32>
    %add3A_52 = vector.broadcast %get3A_51 : vector<1x128xf32> to vector<2000x128xf32>
    %add3A_53 = arith.addf %mul3A_48, %add3A_52 : vector<2000x128xf32>
    %logistic3A = arith.negf %add3A_53 : vector<2000x128xf32>
    %logistic3A_54 = math.exp %logistic3A : vector<2000x128xf32>
    %logistic3A_55 = arith.constant 1.000000e+00 : f32
    %logistic3A_56 = vector.broadcast %logistic3A_55 : f32 to vector<2000x128xf32>
    %logistic3A_57 = arith.addf %logistic3A_56, %logistic3A_54 : vector<2000x128xf32>
    %logistic3A_58 = arith.divf %logistic3A_56, %logistic3A_57 : vector<2000x128xf32>
    %mul3A_59 = arith.mulf %add3A_53, %logistic3A_58 : vector<2000x128xf32>
    %get3A_60 = arith.constant 0 : index
    %get3A_61 = arith.constant 0 : index
    %get3A_62 = vector.load %arg7[%get3A_60, %get3A_61] : memref<2000x128xf32, #tpu.memory_space<vmem>>, vector<2000x128xf32>
    %add3A_63 = arith.addf %mul3A_59, %get3A_62 : vector<2000x128xf32>
    %swap3A = arith.constant 0 : index
    %swap3A_64 = arith.constant 0 : index
    %swap3A_65 = vector.load %arg8[%swap3A, %swap3A_64] : memref<2000x128xf32, #tpu.memory_space<vmem>>, vector<2000x128xf32>
    tpu.vector_store %arg8[%swap3A, %swap3A_64], %add3A_63 {strides = array<i32>} : memref<2000x128xf32, #tpu.memory_space<vmem>>, vector<2000x128xf32>,
    return
  }
  func.func @transform_0(%arg0: i32) -> (i32, i32, i32) {
    %c0_i32 = arith.constant 0 : i32
    %c0_i32_0 = arith.constant 0 : i32
    %c0_i32_1 = arith.constant 0 : i32
    return %c0_i32, %arg0, %c0_i32_0 : i32, i32, i32
  }
  func.func @transform_1(%arg0: i32) -> (i32, i32, i32) {
    %c0_i32 = arith.constant 0 : i32
    %c0_i32_0 = arith.constant 0 : i32
    %c0_i32_1 = arith.constant 0 : i32
    return %c0_i32, %arg0, %c0_i32_0 : i32, i32, i32
  }
  func.func @transform_2(%arg0: i32) -> (i32, i32) {
    %c0_i32 = arith.constant 0 : i32
    %c0_i32_0 = arith.constant 0 : i32
    %c0_i32_1 = arith.constant 0 : i32
    return %c0_i32, %c0_i32_0 : i32, i32
  }
  func.func @transform_3(%arg0: i32) -> (i32, i32) {
    %c0_i32 = arith.constant 0 : i32
    %c0_i32_0 = arith.constant 0 : i32
    %c0_i32_1 = arith.constant 0 : i32
    return %c0_i32, %c0_i32_0 : i32, i32
  }
  func.func @transform_4(%arg0: i32) -> (i32, i32) {
    %c0_i32 = arith.constant 0 : i32
    %c0_i32_0 = arith.constant 0 : i32
    %c0_i32_1 = arith.constant 0 : i32
    return %c0_i32, %c0_i32_0 : i32, i32
  }
  func.func @transform_5(%arg0: i32) -> (i32, i32) {
    %c0_i32 = arith.constant 0 : i32
    %c0_i32_0 = arith.constant 0 : i32
    %c0_i32_1 = arith.constant 0 : i32
    return %c0_i32, %c0_i32_0 : i32, i32
  }
  func.func @transform_6(%arg0: i32) -> (i32, i32) {
    %c0_i32 = arith.constant 0 : i32
    %c0_i32_0 = arith.constant 0 : i32
    return %arg0, %c0_i32 : i32, i32
  }
  func.func @transform_7(%arg0: i32) -> (i32, i32) {
    %c0_i32 = arith.constant 0 : i32
    %c0_i32_0 = arith.constant 0 : i32
    return %arg0, %c0_i32 : i32, i32
  }
}

module attributes {stable_mosaic.version = 14 : i64} {
  func.func @_tc_prep_body(%arg0: i32, %arg1: memref<2000x128xf32, #tpu.memory_space<vmem>>, %arg2: memref<2x2000x128xf32, #tpu.memory_space<vmem>>, %arg3: memref<2000x128xf32, #tpu.memory_space<vmem>>) attributes {dimension_semantics = [#tpu.dimension_semantics<arbitrary>], iteration_bounds = array<i64: 5>, scalar_prefetch = 0 : i64, scratch_operands = 0 : i64, tpu.core_type = #tpu.core_type<tc>, window_params = [{transform_indices = @transform_0, window_bounds = array<i64: 2000, 128>}, {transform_indices = @transform_1, window_bounds = array<i64: 2, 2000, 128>}, {transform_indices = @transform_2, window_bounds = array<i64: 2000, 128>}]} {
    %get3A = arith.constant 0 : index
    %get3A_0 = arith.constant 0 : index
    %get3A_1 = arith.constant 0 : index
    %get3A_2 = vector.load %arg2[%get3A, %get3A_0, %get3A_1] : memref<2x2000x128xf32, #tpu.memory_space<vmem>>, vector<2x2000x128xf32>
    %slice3A = vector.extract_strided_slice %get3A_2 {offsets = [0, 0, 0], sizes = [1, 2000, 1], strides = [1, 1, 1]} : vector<2x2000x128xf32> to vector<1x2000x1xf32>
    %squeeze3A = vector.shape_cast %slice3A : vector<1x2000x1xf32> to vector<2000x1xf32>
    %gt3A = arith.constant 0.000000e+00 : f32
    %gt3A_3 = vector.broadcast %gt3A : f32 to vector<2000x1xf32>
    %gt3A_4 = arith.cmpf ogt, %squeeze3A, %gt3A_3 : vector<2000x1xf32>
    %jit3A = arith.constant 1.000000e+00 : f32
    %broadcast_in_dim3A = vector.broadcast %jit3A : f32 to vector<2000x1xf32>
    %select_n3A = arith.select %gt3A_4, %squeeze3A, %broadcast_in_dim3A : vector<2000x1xi1>, vector<2000x1xf32>
    %rsqrt3A = math.rsqrt %select_n3A : vector<2000x1xf32>
    %get3A_5 = arith.constant 0 : index
    %get3A_6 = arith.constant 0 : index
    %get3A_7 = vector.load %arg1[%get3A_5, %get3A_6] : memref<2000x128xf32, #tpu.memory_space<vmem>>, vector<2000x128xf32>
    %mul3A = vector.broadcast %rsqrt3A : vector<2000x1xf32> to vector<2000x128xf32>
    %mul3A_8 = arith.mulf %get3A_7, %mul3A : vector<2000x128xf32>
    %swap3A = arith.constant 0 : index
    %swap3A_9 = arith.constant 0 : index
    %swap3A_10 = vector.load %arg3[%swap3A, %swap3A_9] : memref<2000x128xf32, #tpu.memory_space<vmem>>, vector<2000x128xf32>
    tpu.vector_store %arg3[%swap3A, %swap3A_9], %mul3A_8 {strides = array<i32>} : memref<2000x128xf32, #tpu.memory_space<vmem>>, vector<2000x128xf32>,
    return
  }
  func.func @transform_0(%arg0: i32) -> (i32, i32) {
    %c0_i32 = arith.constant 0 : i32
    %c0_i32_0 = arith.constant 0 : i32
    return %arg0, %c0_i32 : i32, i32
  }
  func.func @transform_1(%arg0: i32) -> (i32, i32, i32) {
    %c0_i32 = arith.constant 0 : i32
    %c0_i32_0 = arith.constant 0 : i32
    %c0_i32_1 = arith.constant 0 : i32
    return %c0_i32, %arg0, %c0_i32_0 : i32, i32, i32
  }
  func.func @transform_2(%arg0: i32) -> (i32, i32) {
    %c0_i32 = arith.constant 0 : i32
    %c0_i32_0 = arith.constant 0 : i32
    return %arg0, %c0_i32 : i32, i32
  }
}

module attributes {stable_mosaic.version = 14 : i64} {
  func.func @_tc_layer_body(%arg0: i32, %arg1: memref<2x2000x128xf32, #tpu.memory_space<vmem>>, %arg2: memref<2x2000x128xf32, #tpu.memory_space<vmem>>, %arg3: memref<128x128xf32, #tpu.memory_space<vmem>>, %arg4: memref<1x128xf32, #tpu.memory_space<vmem>>, %arg5: memref<1x128xf32, #tpu.memory_space<vmem>>, %arg6: memref<1x128xf32, #tpu.memory_space<vmem>>, %arg7: memref<2000x128xf32, #tpu.memory_space<vmem>>, %arg8: memref<2000x128xf32, #tpu.memory_space<vmem>>) attributes {dimension_semantics = [#tpu.dimension_semantics<arbitrary>], iteration_bounds = array<i64: 5>, scalar_prefetch = 0 : i64, scratch_operands = 0 : i64, tpu.core_type = #tpu.core_type<tc>, window_params = [{transform_indices = @transform_0, window_bounds = array<i64: 2, 2000, 128>}, {transform_indices = @transform_1, window_bounds = array<i64: 2, 2000, 128>}, {pipeline_mode = #tpu.pipeline_mode<synchronous>, transform_indices = @transform_2, window_bounds = array<i64: 128, 128>}, {pipeline_mode = #tpu.pipeline_mode<synchronous>, transform_indices = @transform_3, window_bounds = array<i64: 1, 128>}, {pipeline_mode = #tpu.pipeline_mode<synchronous>, transform_indices = @transform_4, window_bounds = array<i64: 1, 128>}, {pipeline_mode = #tpu.pipeline_mode<synchronous>, transform_indices = @transform_5, window_bounds = array<i64: 1, 128>}, {transform_indices = @transform_6, window_bounds = array<i64: 2000, 128>}, {transform_indices = @transform_7, window_bounds = array<i64: 2000, 128>}]} {
    %get3A = arith.constant 0 : index
    %get3A_0 = arith.constant 0 : index
    %get3A_1 = arith.constant 0 : index
    %get3A_2 = vector.load %arg2[%get3A, %get3A_0, %get3A_1] : memref<2x2000x128xf32, #tpu.memory_space<vmem>>, vector<2x2000x128xf32>
    %slice3A = vector.extract_strided_slice %get3A_2 {offsets = [0, 0, 0], sizes = [1, 2000, 1], strides = [1, 1, 1]} : vector<2x2000x128xf32> to vector<1x2000x1xf32>
    %squeeze3A = vector.shape_cast %slice3A : vector<1x2000x1xf32> to vector<2000x1xf32>
    %slice3A_3 = vector.extract_strided_slice %get3A_2 {offsets = [1, 0, 0], sizes = [1, 2000, 1], strides = [1, 1, 1]} : vector<2x2000x128xf32> to vector<1x2000x1xf32>
    %squeeze3A_4 = vector.shape_cast %slice3A_3 : vector<1x2000x1xf32> to vector<2000x1xf32>
    %gt3A = arith.constant 0.000000e+00 : f32
    %gt3A_5 = vector.broadcast %gt3A : f32 to vector<2000x1xf32>
    %gt3A_6 = arith.cmpf ogt, %squeeze3A, %gt3A_5 : vector<2000x1xf32>
    %jit3A = arith.constant 1.000000e+00 : f32
    %broadcast_in_dim3A = vector.broadcast %jit3A : f32 to vector<2000x1xf32>
    %select_n3A = arith.select %gt3A_6, %squeeze3A, %broadcast_in_dim3A : vector<2000x1xi1>, vector<2000x1xf32>
    %rsqrt3A = math.rsqrt %select_n3A : vector<2000x1xf32>
    %gt3A_7 = arith.constant 0.000000e+00 : f32
    %gt3A_8 = vector.broadcast %gt3A_7 : f32 to vector<2000x1xf32>
    %gt3A_9 = arith.cmpf ogt, %squeeze3A_4, %gt3A_8 : vector<2000x1xf32>
    %jit3A_10 = arith.constant 1.000000e+00 : f32
    %broadcast_in_dim3A_11 = vector.broadcast %jit3A_10 : f32 to vector<2000x1xf32>
    %select_n3A_12 = arith.select %gt3A_9, %squeeze3A_4, %broadcast_in_dim3A_11 : vector<2000x1xi1>, vector<2000x1xf32>
    %rsqrt3A_13 = math.rsqrt %select_n3A_12 : vector<2000x1xf32>
    %get3A_14 = arith.constant 0 : index
    %get3A_15 = arith.constant 0 : index
    %get3A_16 = arith.constant 0 : index
    %get3A_17 = vector.load %arg1[%get3A_14, %get3A_15, %get3A_16] : memref<2x2000x128xf32, #tpu.memory_space<vmem>>, vector<1x2000x128xf32>
    %get3A_18 = vector.shape_cast %get3A_17 : vector<1x2000x128xf32> to vector<2000x128xf32>
    %get3A_19 = arith.constant 1 : index
    %get3A_20 = arith.constant 0 : index
    %get3A_21 = arith.constant 0 : index
    %get3A_22 = vector.load %arg1[%get3A_19, %get3A_20, %get3A_21] : memref<2x2000x128xf32, #tpu.memory_space<vmem>>, vector<1x2000x128xf32>
    %get3A_23 = vector.shape_cast %get3A_22 : vector<1x2000x128xf32> to vector<2000x128xf32>
    %add3A = arith.addf %get3A_18, %get3A_23 : vector<2000x128xf32>
    %mul3A = vector.broadcast %rsqrt3A_13 : vector<2000x1xf32> to vector<2000x128xf32>
    %mul3A_24 = arith.mulf %add3A, %mul3A : vector<2000x128xf32>
    %get3A_25 = arith.constant 0 : index
    %get3A_26 = arith.constant 0 : index
    %get3A_27 = vector.load %arg3[%get3A_25, %get3A_26] : memref<128x128xf32, #tpu.memory_space<vmem>>, vector<128x128xf32>
    %dot_general3A = arith.constant dense<0.000000e+00> : vector<2000x128xf32>
    %dot_general3A_28 = tpu.matmul %mul3A_24, %get3A_27, %dot_general3A {dimension_numbers = #tpu.dot_dimension_numbers<[1], [0], [0], [1], [0, 0, 1, 1], [], []>, transpose_lhs_hint = false} : vector<2000x128xf32>, vector<128x128xf32>, vector<2000x128xf32> -> vector<2000x128xf32>
    %get3A_29 = arith.constant 0 : index
    %get3A_30 = arith.constant 0 : index
    %get3A_31 = vector.load %arg4[%get3A_29, %get3A_30] : memref<1x128xf32, #tpu.memory_space<vmem>>, vector<1x128xf32>
    %add3A_32 = vector.broadcast %get3A_31 : vector<1x128xf32> to vector<2000x128xf32>
    %add3A_33 = arith.addf %dot_general3A_28, %add3A_32 : vector<2000x128xf32>
    %reduce_sum3A = arith.constant dense<0.000000e+00> : vector<2000xf32>
    %reduce_sum3A_34 = vector.multi_reduction <add>, %add3A_33, %reduce_sum3A [1] : vector<2000x128xf32> to vector<2000xf32>
    %broadcast_in_dim3A_35 = vector.shape_cast %reduce_sum3A_34 : vector<2000xf32> to vector<2000x1xf32>
    %div3A = arith.constant 1.280000e+02 : f32
    %div3A_36 = vector.broadcast %div3A : f32 to vector<2000x1xf32>
    %div3A_37 = arith.divf %broadcast_in_dim3A_35, %div3A_36 : vector<2000x1xf32>
    %sub3A = vector.broadcast %div3A_37 : vector<2000x1xf32> to vector<2000x128xf32>
    %sub3A_38 = arith.subf %add3A_33, %sub3A : vector<2000x128xf32>
    %integer_pow3A = arith.mulf %sub3A_38, %sub3A_38 : vector<2000x128xf32>
    %reduce_sum3A_39 = arith.constant dense<0.000000e+00> : vector<2000xf32>
    %reduce_sum3A_40 = vector.multi_reduction <add>, %integer_pow3A, %reduce_sum3A_39 [1] : vector<2000x128xf32> to vector<2000xf32>
    %broadcast_in_dim3A_41 = vector.shape_cast %reduce_sum3A_40 : vector<2000xf32> to vector<2000x1xf32>
    %div3A_42 = arith.constant 1.280000e+02 : f32
    %div3A_43 = vector.broadcast %div3A_42 : f32 to vector<2000x1xf32>
    %div3A_44 = arith.divf %broadcast_in_dim3A_41, %div3A_43 : vector<2000x1xf32>
    %sub3A_45 = vector.broadcast %div3A_37 : vector<2000x1xf32> to vector<2000x128xf32>
    %sub3A_46 = arith.subf %add3A_33, %sub3A_45 : vector<2000x128xf32>
    %add3A_47 = arith.constant 9.99999974E-6 : f32
    %add3A_48 = vector.broadcast %add3A_47 : f32 to vector<2000x1xf32>
    %add3A_49 = arith.addf %div3A_44, %add3A_48 : vector<2000x1xf32>
    %rsqrt3A_50 = math.rsqrt %add3A_49 : vector<2000x1xf32>
    %mul3A_51 = vector.broadcast %rsqrt3A_50 : vector<2000x1xf32> to vector<2000x128xf32>
    %mul3A_52 = arith.mulf %sub3A_46, %mul3A_51 : vector<2000x128xf32>
    %get3A_53 = arith.constant 0 : index
    %get3A_54 = arith.constant 0 : index
    %get3A_55 = vector.load %arg5[%get3A_53, %get3A_54] : memref<1x128xf32, #tpu.memory_space<vmem>>, vector<1x128xf32>
    %mul3A_56 = vector.broadcast %get3A_55 : vector<1x128xf32> to vector<2000x128xf32>
    %mul3A_57 = arith.mulf %mul3A_52, %mul3A_56 : vector<2000x128xf32>
    %get3A_58 = arith.constant 0 : index
    %get3A_59 = arith.constant 0 : index
    %get3A_60 = vector.load %arg6[%get3A_58, %get3A_59] : memref<1x128xf32, #tpu.memory_space<vmem>>, vector<1x128xf32>
    %add3A_61 = vector.broadcast %get3A_60 : vector<1x128xf32> to vector<2000x128xf32>
    %add3A_62 = arith.addf %mul3A_57, %add3A_61 : vector<2000x128xf32>
    %logistic3A = arith.negf %add3A_62 : vector<2000x128xf32>
    %logistic3A_63 = math.exp %logistic3A : vector<2000x128xf32>
    %logistic3A_64 = arith.constant 1.000000e+00 : f32
    %logistic3A_65 = vector.broadcast %logistic3A_64 : f32 to vector<2000x128xf32>
    %logistic3A_66 = arith.addf %logistic3A_65, %logistic3A_63 : vector<2000x128xf32>
    %logistic3A_67 = arith.divf %logistic3A_65, %logistic3A_66 : vector<2000x128xf32>
    %mul3A_68 = arith.mulf %add3A_62, %logistic3A_67 : vector<2000x128xf32>
    %mul3A_69 = vector.broadcast %rsqrt3A : vector<2000x1xf32> to vector<2000x128xf32>
    %mul3A_70 = arith.mulf %mul3A_68, %mul3A_69 : vector<2000x128xf32>
    %swap3A = arith.constant 0 : index
    %swap3A_71 = arith.constant 0 : index
    %swap3A_72 = vector.load %arg8[%swap3A, %swap3A_71] : memref<2000x128xf32, #tpu.memory_space<vmem>>, vector<2000x128xf32>
    tpu.vector_store %arg8[%swap3A, %swap3A_71], %mul3A_70 {strides = array<i32>} : memref<2000x128xf32, #tpu.memory_space<vmem>>, vector<2000x128xf32>,
    return
  }
  func.func @transform_0(%arg0: i32) -> (i32, i32, i32) {
    %c0_i32 = arith.constant 0 : i32
    %c0_i32_0 = arith.constant 0 : i32
    %c0_i32_1 = arith.constant 0 : i32
    return %c0_i32, %arg0, %c0_i32_0 : i32, i32, i32
  }
  func.func @transform_1(%arg0: i32) -> (i32, i32, i32) {
    %c0_i32 = arith.constant 0 : i32
    %c0_i32_0 = arith.constant 0 : i32
    %c0_i32_1 = arith.constant 0 : i32
    return %c0_i32, %arg0, %c0_i32_0 : i32, i32, i32
  }
  func.func @transform_2(%arg0: i32) -> (i32, i32) {
    %c0_i32 = arith.constant 0 : i32
    %c0_i32_0 = arith.constant 0 : i32
    %c0_i32_1 = arith.constant 0 : i32
    return %c0_i32, %c0_i32_0 : i32, i32
  }
  func.func @transform_3(%arg0: i32) -> (i32, i32) {
    %c0_i32 = arith.constant 0 : i32
    %c0_i32_0 = arith.constant 0 : i32
    %c0_i32_1 = arith.constant 0 : i32
    return %c0_i32, %c0_i32_0 : i32, i32
  }
  func.func @transform_4(%arg0: i32) -> (i32, i32) {
    %c0_i32 = arith.constant 0 : i32
    %c0_i32_0 = arith.constant 0 : i32
    %c0_i32_1 = arith.constant 0 : i32
    return %c0_i32, %c0_i32_0 : i32, i32
  }
  func.func @transform_5(%arg0: i32) -> (i32, i32) {
    %c0_i32 = arith.constant 0 : i32
    %c0_i32_0 = arith.constant 0 : i32
    %c0_i32_1 = arith.constant 0 : i32
    return %c0_i32, %c0_i32_0 : i32, i32
  }
  func.func @transform_6(%arg0: i32) -> (i32, i32) {
    %c0_i32 = arith.constant 0 : i32
    %c0_i32_0 = arith.constant 0 : i32
    return %arg0, %c0_i32 : i32, i32
  }
  func.func @transform_7(%arg0: i32) -> (i32, i32) {
    %c0_i32 = arith.constant 0 : i32
    %c0_i32_0 = arith.constant 0 : i32
    return %arg0, %c0_i32 : i32, i32
  }
}

</mosaic_0001>

<sc_bundles>
// kernel: kernel.11.cloned.1.call-start
scs
__scs_entry_jumppad:
0x0: {  	(pc) =	sbr.rel $0x88, $3  }
0x1: {  	(tag) =	ssettag $0x0;
	lr =	simm.s32 $0x1  }
0x2: {  	[smem:$0x3F97] =	sst lr;
	_ =	strace $0xD0000000  }
0x3: {  	_ = 	snop  }
0x4: {  	_ = 	snop  }
0x5: {  	_ = 	snop  }
0x6: {  	_ = 	snop  }
0x7: {  	_ = 	snop  }
__scs_overlays_trampoline_lowered:
0x8: {  	[smem:$0x3FA6] =	sst s0  }
0x9: {  	[smem:$0x3FA7] =	sst s1  }
0xa: {  	[smem:$0x3FA8] =	sst s2  }
0xb: {  	[smem:$0x3FA9] =	sst s3  }
0xc: {  	[smem:$0x3FAA] =	sst s4  }
0xd: {  	[smem:$0x3FAB] =	sst s5  }
0xe: {  	[smem:$0x3FAC] =	sst s6  }
0xf: {  	[smem:$0x3FAD] =	sst s7  }
0x10: {  	[smem:$0x3FAE] =	sst s8  }
0x11: {  	[smem:$0x3FAF] =	sst s9;
	s0 =	simm.s32 @!p0 $0x0  }
0x12: {  	s1 =	sld [smem:$0x3F95];
	s0 =	simm.s32 @p0 $0x1  }
0x13: {  	[smem:$0x3FB0] =	sst s0;
	s0 =	simm.s32 @!p1 $0x0  }
0x14: {  	s2 =	sld [smem:$0x3F94];
	s0 =	simm.s32 @p1 $0x1  }
0x15: {  	[smem:$0x3FB1] =	sst s0;
	s0 =	simm.s32 @!p2 $0x0  }
0x16: {  	s3 =	sld [smem:$0x3FDB];
	s0 =	simm.s32 @p2 $0x1  }
0x17: {  	s4 =	simm.s32 $0x1BF5;
	[smem:$0x3FB3] =	sst s0  }
0x18: {  	s0 =	sld [smem:$0x3F96];
	_ =	swait.ge [sflag:s4], $0x0  }
0x19: {  	s7 =	sld [smem:$0x3F97]  }
0x1a: {  	s8 =	sadd.s32 $0xFFFFE003, lr  }
0x1b: {  	s9 =	sadd.s32 $0xFFFFFEF7, lr;
	s5 =	simm.s32 $0xFFFFFFFF;
	p2 =	slt.u32 s8, $0xFFFFF086  }
0x1c: {  	p1 =	slt.u32 s9, $0xF7A;
	s5 =	simm.s32 @!p2 $0x0  }
0x1d: {  	s5 =	simm.s32 @p1 $0x1;
	p0 =	seq.s32 s7, s2  }
0x1e: {  	s7 =	smul.u32 @!p0 $0xF7A, s2;
	p2 =	seq.s32 @!p0 s5, $0x0  }
0x1f: {  	s9 =	smul.u32 $0xF7A, s1;
	s8 =	simm.s32 @!p0 $0x1BF5;
	p2 =	por !p2, p0  }
0x20: {  	[sflag:s8] =	ssyncset.s32 @!p0 $0xFFFFF086;
	s6 =	sadd.s32 @!p0 s3, s7;
	s7 =	simm.s32 @!p0 $0x108  }
0x21: {  	s3 =	sadd.s32 s3, s9;
	s6 =	sadd.s32 @!p0 $0x88, s6;
	s7 =	simm.s32 @p2 $0x1082  }
0x22: {  	[simem:s7], [sflag:s8] =	dma.local @!p0 [hbm:s6], $0xF7A  }
0x23: {  	s9 =	sor.u32 $0xD0000000, s2;
	s6 =	simm.s32 $0x108;
	_ =	swait.ge @!p0 [sflag:s8], $0x0  }
0x24: {  	s3 =	sadd.s32 $0x88, s3;
	s6 =	simm.s32 @!p1 $0x1082;
	[sflag:s4] =	ssyncset.s32 $0xFFFFF086  }
0x25: {  	[simem:s6], [sflag:s4] =	dma.local [hbm:s3], $0xF7A  }
0x26: {  	[smem:$0x3F97] =	sst s1;
	(tag) =	ssettag s2;
	_ =	strace s9  }
0x27: {  	s1 =	sld [smem:$0x3FA7]  }
0x28: {  	s2 =	sld [smem:$0x3FA8]  }
0x29: {  	s4 =	sld [smem:$0x3FAA]  }
0x2a: {  	p0 =	seq.s32 s5, $0x0;
	s5 =	sld [smem:$0x3FAB]  }
0x2b: {  	s6 =	sld [smem:$0x3FAC]  }
0x2c: {  	s7 =	sld [smem:$0x3FAD]  }
0x2d: {  	s3 =	simm.s32 $0x108;
	s8 =	sld [smem:$0x3FAE]  }
0x2e: {  	s3 =	simm.s32 @!p0 $0x1082;
	s9 =	sld [smem:$0x3FAF]  }
0x2f: {  	lr =	sadd.s32 s0, s3;
	s0 =	sld [smem:$0x3FA6]  }
0x30: {  	s3 =	sld [smem:$0x3FA9]  }
0x31: {  	[smem:$0x3FB2] =	sst s10  }
0x32: {  	s10 =	sld [smem:$0x3FB0];
	_ =	sdelay $0x3  }
0x33: {  	p0 =	seq.s32 s10, $0x1;
	s10 =	sld [smem:$0x3FB2];
	_ =	sdelay $0x3  }
0x34: {  	[smem:$0x3FB2] =	sst s10  }
0x35: {  	s10 =	sld [smem:$0x3FB1];
	_ =	sdelay $0x3  }
0x36: {  	p1 =	seq.s32 s10, $0x1;
	s10 =	sld [smem:$0x3FB2];
	_ =	sdelay $0x3  }
0x37: {  	[smem:$0x3FB2] =	sst s10  }
0x38: {  	s10 =	sld [smem:$0x3FB3]  }
0x39: {  	_ = 	snop;
	(pc) =	sbr.ind lr, $3  }
0x3a: {  	_ = 	snop  }
0x3b: {  	_ = 	snop  }
0x3c: {  	p2 =	seq.s32 s10, $0x1;
	s10 =	sld [smem:$0x3FB2]  }
0x3d: {  	_ =	shalt  }
0x3e: {  	_ =	shalt  }
0x3f: {  	_ =	shalt  }
0x40: {  	_ =	shalt  }
0x41: {  	_ =	shalt  }
0x42: {  	_ =	shalt  }
0x43: {  	_ =	shalt  }
0x44: {  	_ =	shalt  }
0x45: {  	_ =	shalt  }
0x46: {  	_ =	shalt  }
0x47: {  	_ =	shalt  }
0x48: {  	_ =	shalt  }
0x49: {  	_ =	shalt  }
0x4a: {  	_ =	shalt  }
0x4b: {  	_ =	shalt  }
0x4c: {  	_ =	shalt  }
0x4d: {  	_ =	shalt  }
0x4e: {  	_ =	shalt  }
0x4f: {  	_ =	shalt  }
0x50: {  	_ =	shalt  }
0x51: {  	_ =	shalt  }
0x52: {  	_ =	shalt  }
0x53: {  	_ =	shalt  }
0x54: {  	_ =	shalt  }
0x55: {  	_ =	shalt  }
0x56: {  	_ =	shalt  }
0x57: {  	_ =	shalt  }
0x58: {  	_ =	shalt  }
0x59: {  	_ =	shalt  }
0x5a: {  	_ =	shalt  }
0x5b: {  	_ =	shalt  }
0x5c: {  	_ =	shalt  }
0x5d: {  	_ =	shalt  }
0x5e: {  	_ =	shalt  }
0x5f: {  	_ =	shalt  }
0x60: {  	_ =	shalt  }
0x61: {  	_ =	shalt  }
0x62: {  	_ =	shalt  }
0x63: {  	_ =	shalt  }
0x64: {  	_ =	shalt  }
0x65: {  	_ =	shalt  }
0x66: {  	_ =	shalt  }
0x67: {  	_ =	shalt  }
0x68: {  	_ =	shalt  }
0x69: {  	_ =	shalt  }
0x6a: {  	_ =	shalt  }
0x6b: {  	_ =	shalt  }
0x6c: {  	_ =	shalt  }
0x6d: {  	_ =	shalt  }
0x6e: {  	_ =	shalt  }
0x6f: {  	_ =	shalt  }
0x70: {  	_ =	shalt  }
0x71: {  	_ =	shalt  }
0x72: {  	_ =	shalt  }
0x73: {  	_ =	shalt  }
0x74: {  	_ =	shalt  }
0x75: {  	_ =	shalt  }
0x76: {  	_ =	shalt  }
0x77: {  	_ =	shalt  }
0x78: {  	_ =	shalt  }
0x79: {  	_ =	shalt  }
0x7a: {  	_ =	shalt  }
0x7b: {  	_ =	shalt  }
0x7c: {  	_ =	shalt  }
0x7d: {  	_ =	shalt  }
0x7e: {  	_ =	shalt  }
0x7f: {  	_ =	shalt  }
0x80: {  	_ =	shalt  }
0x81: {  	_ =	shalt  }
0x82: {  	_ =	shalt  }
0x83: {  	_ =	shalt  }
0x84: {  	_ =	shalt  }
0x85: {  	_ =	shalt  }
0x86: {  	_ =	shalt  }
0x87: {  	_ =	shalt  }
.Lfunc_end0:
.L_simem_size_0:
called_computation.1_lowered:
.L_overlay_start_0:
0x88: {  	s2 =	sld [smem:$0x3FD9]  }
0x89: {  	s3 =	sld [smem:$0x3FFE];
	_ =	sdelay $0x1  }
0x8a: {  	s1 =	srdreg.scid  }
0x8b: {  	s0 =	sand.u32 $0x1, s1  }
0x8c: {  	s17 =	sshll.u32 s0, $0xA;
	s2 =	sadd.s32 s3, s2  }
0x8d: {  	s2 =	sadd.s32 s2, s17  }
0x8e: {  	[smem:$0x3FBE] =	sst s2  }
0x8f: {  	_ = 	snop  }
0x90: {  	s2 =	sld [smem:$0x3FD0];
	(tm) =	ssettm $0x1  }
0x91: {  	s18 =	sld [smem:$0x3FFB];
	_ =	sdelay $0x3  }
0x92: {  	_ =	strace s18  }
0x93: {  	s3 =	sld [smem:$0x3FFC];
	_ =	sdelay $0x3  }
0x94: {  	_ =	strace s3  }
0x95: {  	s3 =	sld [smem:$0x3FFD];
	_ =	sdelay $0x3  }
0x96: {  	_ =	strace s3  }
0x97: {  	_ =	strace $0x8FFFFFFF  }
0x98: {  	s19 =	sld [smem:$0x3FDB];
	_ =	sdelay $0x1  }
0x99: {  	s4 =	simm.s32 $_scs_section_size  }
0x9a: {  	s5 =	simm.s32 $_size__tile_overlayer_lowered;
	s6 =	simm.s32 $_tile_overlayer_lowered  }
0x9b: {  	s22 =	simm.s32 $0x1BFF;
	s21 =	sshll.u32 s6, $0x1;
	s3 =	sadd.s32 s4, s19  }
0x9c: {  	s7 =	simm.s32 $0x0;
	s20 =	sshll.u32 s5, $0x1;
	s5 =	sadd.s32 s21, s3  }
0x9d: {  	[timem:s7], [sflag:s22] =	dma.local [hbm:s5], s20  }
0x9e: {  	_ =	swait.ge [sflag:s22], s20  }
0x9f: {  	s4 =	ssub.s32 $0x0, s20;
	[sflag:s22] =	ssyncset.done $0x0  }
0xa0: {  	[sflag:s22] =	ssyncadd.s32 s4;
	_ =	sdelay $0x1  }
0xa1: {  	s23 =	simm.s32 $0x1B8B  }
0xa2: {  	_ =	swait.ge [sflag:s23], $0x1  }
0xa3: {  	[sflag:s23] =	ssyncset.done $0x0  }
0xa4: {  	s25 =	simm.s32 $0x1B8E;
	s24 =	sld [smem:$0x3FFE];
	[sflag:s23] =	ssyncadd.s32 $0xFFFFFFFF  }
0xa5: {  	s26 =	simm.s32 $execute0_lowered;
	[smem:$0x3FD2] =	sst s25  }
0xa6: {  	s5 =	sshll.u32 s26, $0x1;
	_ =	strace $0x80000049;
	[dreg:$0x1] =	wrdreg $0xFFFFFFFF  }
0xa7: {  	s28 =	simm.s32 $_size_execute0_lowered;
	s3 =	sadd.s32 s3, s5;
	[dreg:$0x0] =	wrdreg $0x0  }
0xa8: {  	s5 =	sshll.u32 s28, $0x1;
	[dreg:$0x2] =	wrdreg s3  }
0xa9: {  	[dreg:$0x3] =	wrdreg s5  }
0xaa: {  	[dreg:$0x4] =	wrdreg $0xC0  }
0xab: {  	_ =	task [dreg:s7], $0x5FFFF  }
0xac: {  	[dreg:$0x1] =	wrdreg $0xFFFFFFFF  }
0xad: {  	[dreg:$0x0] =	wrdreg $0x60  }
0xae: {  	[dreg:$0x2] =	wrdreg s2  }
0xaf: {  	[dreg:$0x3] =	wrdreg s24  }
0xb0: {  	[dreg:$0x4] =	wrdreg $0xAF000  }
0xb1: {  	[dreg:$0x5] =	wrdreg $0x9  }
0xb2: {  	_ =	task.clear_ibuf [dreg:s7], $0x6FFFF;
	_ =	strace $0x90000049  }
0xb3: {  	s29 =	simm.s32 $0x9;
	_ =	strace $0x8000004B  }
0xb4: {  	_ =	swait.ge [sflag:s29], $0x1  }
0xb5: {  	[sflag:s29] =	ssyncadd.s32 $0xFFFFFFFF  }
0xb6: {  	_ =	strace $0x9000004B  }
0xb7: {  	_ =	sfence  }
0xb8: {  	s30 =	sld [smem:$0x0];
	_ =	sdelay $0x2  }
0xb9: {  	s31 =	sshll.u32 s1, $0xD;
	s1 =	sshrl.u32 s1, $0x2  }
0xba: {  	s3 =	sand.u32 $0x4000, s31;
	s1 =	sadd.s32 s1, s30  }
0xbb: {  	s0 =	sor.u32 s3, s0;
	s1 =	sshll.u32 s1, $0x11  }
0xbc: {  	s0 =	sor.u32 s1, s0  }
0xbd: {  	s0 =	sadd.s32 $0x8F2B, s0  }
0xbe: {  	[sflag:s0] =	ssyncadd.remote.s32 $0x1  }
0xbf: {  	_ =	sfence.sel $0xFFFF  }
0xc0: {  	[dreg:$0x0] =	wrdreg $0xFFFFFFFF;
	(pc) =	sbr.abs _section_cstart, $3  }
0xc1: {  	[dreg:$0x1] =	wrdreg $0xFFFFFFFF  }
0xc2: {  	_ =	task.clear_ibuf [dreg:s7], $0x2FFFF;
	_ =	strace $0x9FFFFFFF  }
0xc3: {  	(tm) =	ssettm $0x7FFFFFFF  }
tec
execute0_lowered:
.L_overlay_start_1:
0x0: {  	(tag) =	ssettag $0x1  }
0x1: {  	s1 =	rddreg [dreg:$0x0];
	s0 =	srdreg.scid  }
0x2: {  	s2 =	rddreg [dreg:$0x1];
	s8 =	stileid.u32  }
0x3: {  	s3 =	rddreg [dreg:$0x2];
	s6 =	smul.u32 $0x2710, s8  }
0x4: {  	s4 =	simm.s32 $0x0;
	s30 =	simm.s32 $0x9F00;
	s15 =	smul.u32 $0x14000, s8  }
0x5: {  	s31 =	simm.s32 $0x3;
	s0 =	sand.u32 $0x1, s0;
	s16 =	smul.u32 $0x50000, s8  }
0x6: {  	[smem:$0x7FF] =	sst s4;
	s8 =	simm.s32 $0x2;
	s5 =	smul.u32 $0x27100, s0  }
0x7: {  	s7 =	smul.u32 $0x140000, s0;
	_ =	strace $0x8000004A;
	s0 =	ssub.s32 $0x2, s0  }
0x8: {  	s19 =	sshrl.u32 s0, $0x1;
	s20 =	sshrl.u32 s16, $0x2;
	s5 =	sadd.s32 s6, s5  }
0x9: {  	s6 =	sadd.s32 s15, s7;
	s0 =	ssub.s32 s0, s19;
	s7 =	simm.s32 $0x1  }
0xa: {  	s5 =	sshrl.u32 s5, $0x3;
	s18 =	sshrl.u32 s6, $0x3;
	s0 =	smax.u32 s0, $0x1  }
0xb: {  	s6 =	simm.s32 $0x7700;
	s17 =	sadd.s32 s5, s2;
	s2 =	sadd.s32 s18, s2  }
0xc: {  	s5 =	sadd.s32 s20, s3;
	[dreg:$0x7] =	wrdreg s0;
	s0 =	simm.s32 $0x50  }
0xd: {  	s21 =	sadd.s32 $0xC400, s17;
	s22 =	sadd.s32 $0x2600, s17;
	s2 =	sadd.s32 $0x66200, s2  }
0xe: {  	s23 =	sadd.s32 $0x1000, s5;
	s24 =	sadd.s32 $0x2000, s5;
	[dreg:$0x4] =	wrdreg s21  }
0xf: {  	s25 =	sadd.s32 $0x3000, s5;
	s26 =	sadd.s32 $0x4000, s5;
	[dreg:$0x5] =	wrdreg s22  }
0x10: {  	s14 =	sadd.s32 $0x5000, s5;
	s15 =	sadd.s32 $0x6000, s5;
	[dreg:$0x6] =	wrdreg s2  }
0x11: {  	s16 =	sadd.s32 $0x7000, s5;
	s17 =	sadd.s32 $0x8000, s5;
	[dreg:$0x8] =	wrdreg s23  }
0x12: {  	s18 =	sadd.s32 $0x9000, s5;
	s19 =	sadd.s32 $0xA000, s5;
	[dreg:$0x9] =	wrdreg s24  }
0x13: {  	s20 =	sadd.s32 $0xB000, s5;
	s28 =	sadd.s32 $0x12000, s5;
	[dreg:$0xa] =	wrdreg s25  }
0x14: {  	s29 =	sadd.s32 $0x13000, s5;
	[dreg:$0xb] =	wrdreg s26;
	s21 =	sadd.s32 $0xC000, s5  }
0x15: {  	s22 =	sadd.s32 $0xD000, s5;
	s23 =	sadd.s32 $0xE000, s5;
	s24 =	sadd.s32 $0xF000, s5  }
0x16: {  	v0 =	vimm.f32 $0.0e+00;
	s25 =	sadd.s32 $0x10000, s5;
	s26 =	sadd.s32 $0x11000, s5;
	s2 =	simm.s32 $0x4F00  }
.LBB2_1:
0x17: {  	s9 =	simm.s32 $0x0;
	s10 =	simm.s32 $0x200  }
.LBB2_2:
0x18: {  	p0 =	sne.s32 s10, $0x3E00;
	[tilespmem:s9+$0x9F70] =	vst v0  }
0x19: {  	[tilespmem:s9+$0x9F00] =	vst v0  }
0x1a: {  	[tilespmem:s9+$0x9F10] =	vst v0  }
.Ltmp0:
0x1b: {  	[tilespmem:s9+$0x9F20] =	vst v0;
	(pc) =	sbr.rel @p0 .LBB2_2-.Ltmp0, $4  }
0x1c: {  	[tilespmem:s9+$0x9F30] =	vst v0  }
0x1d: {  	[tilespmem:s9+$0x9F40] =	vst v0  }
0x1e: {  	[tilespmem:s9+$0x9F50] =	vst v0  }
0x1f: {  	[tilespmem:s9+$0x9F60] =	vst v0;
	s9 =	sshra.s32 s10, $0x2;
	s10 =	sadd.s32 $0x200, s10  }
0x20: {  	[tilespmem:s9+$0x9F70] =	vst v0  }
0x21: {  	[tilespmem:s9+$0x9F00] =	vst v0  }
0x22: {  	[tilespmem:s9+$0x9F10] =	vst v0  }
0x23: {  	[tilespmem:s9+$0x9F20] =	vst v0  }
0x24: {  	[tilespmem:s9+$0x9F30] =	vst v0  }
0x25: {  	[tilespmem:s9+$0x9F40] =	vst v0  }
0x26: {  	[tilespmem:s9+$0x9F50] =	vst v0  }
0x27: {  	[tilespmem:s9+$0x9F60] =	vst v0  }
0x28: {  	[spmem:s5] =	stream.linear.scatter [tilespmem:s30], [sflag:$0x3], $0x1000, $0x38;
	[tilespmem:$0x1EF00] =	vst v63  }
0x29: {  	_ =	swait.ge [sflag:s31], $0x1000  }
0x2a: {  	[sflag:s31] =	ssyncset.done $0x0  }
0x2b: {  	s12 =	rddreg [dreg:$0x8];
	[sflag:s31] =	ssyncadd.s32 $0xFFFFF000  }
0x2c: {  	[spmem:s12] =	stream.linear.scatter [tilespmem:s30], [sflag:$0x3], $0x1000, $0x38;
	[tilespmem:$0x1EF00] =	vst v63  }
0x2d: {  	_ =	swait.ge [sflag:s31], $0x1000  }
0x2e: {  	[sflag:s31] =	ssyncset.done $0x0  }
0x2f: {  	s13 =	rddreg [dreg:$0x9];
	[sflag:s31] =	ssyncadd.s32 $0xFFFFF000  }
0x30: {  	[spmem:s13] =	stream.linear.scatter [tilespmem:s30], [sflag:$0x3], $0x1000, $0x38;
	[tilespmem:$0x1EF00] =	vst v63  }
0x31: {  	_ =	swait.ge [sflag:s31], $0x1000  }
0x32: {  	[sflag:s31] =	ssyncset.done $0x0  }
0x33: {  	s10 =	rddreg [dreg:$0xa];
	[sflag:s31] =	ssyncadd.s32 $0xFFFFF000  }
0x34: {  	[spmem:s10] =	stream.linear.scatter [tilespmem:s30], [sflag:$0x3], $0x1000, $0x38;
	[tilespmem:$0x1EF00] =	vst v63  }
0x35: {  	_ =	swait.ge [sflag:s31], $0x1000  }
0x36: {  	[sflag:s31] =	ssyncset.done $0x0  }
0x37: {  	s11 =	rddreg [dreg:$0xb];
	[sflag:s31] =	ssyncadd.s32 $0xFFFFF000  }
0x38: {  	[spmem:s11] =	stream.linear.scatter [tilespmem:s30], [sflag:$0x3], $0x1000, $0x38;
	[tilespmem:$0x1EF00] =	vst v63  }
0x39: {  	_ =	swait.ge [sflag:s31], $0x1000  }
0x3a: {  	[sflag:s31] =	ssyncset.done $0x0  }
0x3b: {  	[sflag:s31] =	ssyncadd.s32 $0xFFFFF000  }
0x3c: {  	[spmem:s14] =	stream.linear.scatter [tilespmem:s30], [sflag:$0x3], $0x1000, $0x38;
	[tilespmem:$0x1EF00] =	vst v63  }
0x3d: {  	_ =	swait.ge [sflag:s31], $0x1000  }
0x3e: {  	[sflag:s31] =	ssyncset.done $0x0  }
0x3f: {  	[sflag:s31] =	ssyncadd.s32 $0xFFFFF000  }
0x40: {  	[spmem:s15] =	stream.linear.scatter [tilespmem:s30], [sflag:$0x3], $0x1000, $0x38;
	[tilespmem:$0x1EF00] =	vst v63  }
0x41: {  	_ =	swait.ge [sflag:s31], $0x1000  }
0x42: {  	[sflag:s31] =	ssyncset.done $0x0  }
0x43: {  	[sflag:s31] =	ssyncadd.s32 $0xFFFFF000  }
0x44: {  	[spmem:s16] =	stream.linear.scatter [tilespmem:s30], [sflag:$0x3], $0x1000, $0x38;
	[tilespmem:$0x1EF00] =	vst v63  }
0x45: {  	_ =	swait.ge [sflag:s31], $0x1000  }
0x46: {  	[sflag:s31] =	ssyncset.done $0x0  }
0x47: {  	[sflag:s31] =	ssyncadd.s32 $0xFFFFF000  }
0x48: {  	[spmem:s17] =	stream.linear.scatter [tilespmem:s30], [sflag:$0x3], $0x1000, $0x38;
	[tilespmem:$0x1EF00] =	vst v63  }
0x49: {  	_ =	swait.ge [sflag:s31], $0x1000  }
0x4a: {  	[sflag:s31] =	ssyncset.done $0x0  }
0x4b: {  	[sflag:s31] =	ssyncadd.s32 $0xFFFFF000  }
0x4c: {  	[spmem:s18] =	stream.linear.scatter [tilespmem:s30], [sflag:$0x3], $0x1000, $0x38;
	[tilespmem:$0x1EF00] =	vst v63  }
0x4d: {  	_ =	swait.ge [sflag:s31], $0x1000  }
0x4e: {  	[sflag:s31] =	ssyncset.done $0x0  }
0x4f: {  	[sflag:s31] =	ssyncadd.s32 $0xFFFFF000  }
0x50: {  	[spmem:s19] =	stream.linear.scatter [tilespmem:s30], [sflag:$0x3], $0x1000, $0x38;
	[tilespmem:$0x1EF00] =	vst v63  }
0x51: {  	_ =	swait.ge [sflag:s31], $0x1000  }
0x52: {  	[sflag:s31] =	ssyncset.done $0x0  }
0x53: {  	[sflag:s31] =	ssyncadd.s32 $0xFFFFF000  }
0x54: {  	[spmem:s20] =	stream.linear.scatter [tilespmem:s30], [sflag:$0x3], $0x1000, $0x38;
	[tilespmem:$0x1EF00] =	vst v63  }
0x55: {  	_ =	swait.ge [sflag:s31], $0x1000  }
0x56: {  	[sflag:s31] =	ssyncset.done $0x0  }
0x57: {  	[sflag:s31] =	ssyncadd.s32 $0xFFFFF000  }
0x58: {  	[spmem:s21] =	stream.linear.scatter [tilespmem:s30], [sflag:$0x3], $0x1000, $0x38;
	[tilespmem:$0x1EF00] =	vst v63  }
0x59: {  	_ =	swait.ge [sflag:s31], $0x1000  }
0x5a: {  	[sflag:s31] =	ssyncset.done $0x0  }
0x5b: {  	[sflag:s31] =	ssyncadd.s32 $0xFFFFF000  }
0x5c: {  	[spmem:s22] =	stream.linear.scatter [tilespmem:s30], [sflag:$0x3], $0x1000, $0x38;
	[tilespmem:$0x1EF00] =	vst v63  }
0x5d: {  	_ =	swait.ge [sflag:s31], $0x1000  }
0x5e: {  	[sflag:s31] =	ssyncset.done $0x0  }
0x5f: {  	[sflag:s31] =	ssyncadd.s32 $0xFFFFF000  }
0x60: {  	[spmem:s23] =	stream.linear.scatter [tilespmem:s30], [sflag:$0x3], $0x1000, $0x38;
	[tilespmem:$0x1EF00] =	vst v63  }
0x61: {  	_ =	swait.ge [sflag:s31], $0x1000  }
0x62: {  	[sflag:s31] =	ssyncset.done $0x0  }
0x63: {  	[sflag:s31] =	ssyncadd.s32 $0xFFFFF000  }
0x64: {  	[spmem:s24] =	stream.linear.scatter [tilespmem:s30], [sflag:$0x3], $0x1000, $0x38;
	[tilespmem:$0x1EF00] =	vst v63  }
0x65: {  	_ =	swait.ge [sflag:s31], $0x1000  }
0x66: {  	[sflag:s31] =	ssyncset.done $0x0  }
0x67: {  	[sflag:s31] =	ssyncadd.s32 $0xFFFFF000  }
0x68: {  	[spmem:s25] =	stream.linear.scatter [tilespmem:s30], [sflag:$0x3], $0x1000, $0x38;
	[tilespmem:$0x1EF00] =	vst v63  }
0x69: {  	_ =	swait.ge [sflag:s31], $0x1000  }
0x6a: {  	[sflag:s31] =	ssyncset.done $0x0  }
0x6b: {  	[sflag:s31] =	ssyncadd.s32 $0xFFFFF000  }
0x6c: {  	[spmem:s26] =	stream.linear.scatter [tilespmem:s30], [sflag:$0x3], $0x1000, $0x38;
	[tilespmem:$0x1EF00] =	vst v63  }
0x6d: {  	_ =	swait.ge [sflag:s31], $0x1000  }
0x6e: {  	[sflag:s31] =	ssyncset.done $0x0  }
0x6f: {  	[sflag:s31] =	ssyncadd.s32 $0xFFFFF000  }
0x70: {  	[spmem:s28] =	stream.linear.scatter [tilespmem:s30], [sflag:$0x3], $0x1000, $0x38;
	[tilespmem:$0x1EF00] =	vst v63  }
0x71: {  	_ =	swait.ge [sflag:s31], $0x1000  }
0x72: {  	[sflag:s31] =	ssyncset.done $0x0  }
0x73: {  	[sflag:s31] =	ssyncadd.s32 $0xFFFFF000  }
0x74: {  	[spmem:s29] =	stream.linear.scatter [tilespmem:s30], [sflag:$0x3], $0x1000, $0x38;
	[tilespmem:$0x1EF00] =	vst v63  }
0x75: {  	_ =	swait.ge [sflag:s31], $0x1000  }
0x76: {  	[sflag:s31] =	ssyncset.done $0x0  }
0x77: {  	s12 =	simm.s32 $0x0;
	s10 =	rddreg [dreg:$0x4];
	[sflag:s31] =	ssyncadd.s32 $0xFFFFF000  }
0x78: {  	[tilespmem:s12], [sflag:$0x3] =	stream.linear.gather [hbm4b:s10+s12], $0x2710, $0x38;
	[tilespmem:$0x1EF00] =	vst v63  }
0x79: {  	_ =	swait.ge [sflag:s31], $0x2710  }
0x7a: {  	[sflag:s31] =	ssyncset.done $0x0  }
0x7b: {  	s11 =	simm.s32 $0x2780;
	s13 =	rddreg [dreg:$0x5];
	[sflag:s31] =	ssyncadd.s32 $0xFFFFD8F0  }
0x7c: {  	[tilespmem:s11], [sflag:$0x3] =	stream.linear.gather [hbm4b:s13+s12], $0x2710, $0x38;
	[tilespmem:$0x1EF00] =	vst v63  }
0x7d: {  	_ =	swait.ge [sflag:s31], $0x2710  }
0x7e: {  	[sflag:s31] =	ssyncset.done $0x0  }
0x7f: {  	[sflag:s31] =	ssyncadd.s32 $0xFFFFD8F0  }
0x80: {  	[bflag:$0x0] =	sbarrier.arrive $0xFFFF  }
0x81: {  	[tilespmem:s2], [sflag:$0x1] =	stream.indirect.gather [hbm4b:s1+s0], $0x80, s12, s0, $0xb8;
	[tilespmem:$0x1EF00] =	vst v63  }
0x82: {  	s10 =	simm.s32 $0x50  }
0x83: {  	[tilespmem:s6], [sflag:$0x2] =	stream.indirect.gather [hbm4b:s1+s0], $0x80, s10, s0, $0xb8;
	[tilespmem:$0x1EF00] =	vst v63  }
0x84: {  	_ =	swait.ge [sflag:s7], $0x2800  }
0x85: {  	[sflag:s7] =	ssyncset.done $0x0  }
0x86: {  	s11 =	simm.s32 $0x2780;
	[sflag:s7] =	ssyncadd.s32 $0xFFFFD800  }
0x87: {  	[spmem:s3] =	stream.indirect.scatter.add.f32 [tilespmem:s2], [sflag:$0x3], $0x80, s11, s0, $0xb8;
	[tilespmem:$0x1EF00] =	vst v63  }
0x88: {  	_ =	swait.ge [sflag:s31], $0x2800  }
0x89: {  	[sflag:s31] =	ssyncset.done $0x0  }
0x8a: {  	s12 =	simm.s32 $0xA0;
	[sflag:s31] =	ssyncadd.s32 $0xFFFFD800  }
0x8b: {  	[tilespmem:s2], [sflag:$0x1] =	stream.indirect.gather [hbm4b:s1+s0], $0x80, s12, s0, $0xb8;
	[tilespmem:$0x1EF00] =	vst v63  }
0x8c: {  	_ =	swait.ge [sflag:s8], $0x2800  }
0x8d: {  	[sflag:s8] =	ssyncset.done $0x0  }
0x8e: {  	s13 =	simm.s32 $0x27D0;
	[sflag:s8] =	ssyncadd.s32 $0xFFFFD800  }
0x8f: {  	[spmem:s3] =	stream.indirect.scatter.add.f32 [tilespmem:s6], [sflag:$0x3], $0x80, s13, s0, $0xb8;
	[tilespmem:$0x1EF00] =	vst v63  }
0x90: {  	_ =	swait.ge [sflag:s31], $0x2800  }
0x91: {  	s9 =	simm.s32 $0xA0;
	s10 =	simm.s32 $0x500;
	[sflag:s31] =	ssyncset.done $0x0  }
.LBB2_4:
0x92: {  	s11 =	sadd.s32 $0x50, s9  }
0x93: {  	[sflag:s31] =	ssyncadd.s32 $0xFFFFD800;
	s12 =	smov.u32 s10;
	s13 =	sadd.s32 $0x280, s10  }
0x94: {  	[tilespmem:s6], [sflag:$0x2] =	stream.indirect.gather [hbm4b:s1+s0], $0x80, s11, s0, $0xb8;
	[tilespmem:$0x1EF00] =	vst v63  }
0x95: {  	p0 =	sne.s32 s10, $0x9880;
	_ =	swait.ge [sflag:s7], $0x2800  }
0x96: {  	[sflag:s7] =	ssyncset.done $0x0  }
0x97: {  	s10 =	sadd.s32 $0x2780, s9;
	[sflag:s7] =	ssyncadd.s32 $0xFFFFD800  }
0x98: {  	[spmem:s3] =	stream.indirect.scatter.add.f32 [tilespmem:s2], [sflag:$0x3], $0x80, s10, s0, $0xb8;
	[tilespmem:$0x1EF00] =	vst v63  }
0x99: {  	_ =	swait.ge [sflag:s31], $0x2800  }
0x9a: {  	[sflag:s31] =	ssyncset.done $0x0  }
0x9b: {  	s10 =	sadd.s32 $0xA0, s9;
	[sflag:s31] =	ssyncadd.s32 $0xFFFFD800  }
0x9c: {  	[tilespmem:s2], [sflag:$0x1] =	stream.indirect.gather [hbm4b:s1+s0], $0x80, s10, s0, $0xb8;
	[tilespmem:$0x1EF00] =	vst v63  }
0x9d: {  	_ =	swait.ge [sflag:s8], $0x2800  }
.Ltmp1:
0x9e: {  	[sflag:s8] =	ssyncset.done $0x0;
	(pc) =	sbr.rel @p0 .LBB2_4-.Ltmp1, $4  }
0x9f: {  	s9 =	sadd.s32 $0x27D0, s9;
	[sflag:s8] =	ssyncadd.s32 $0xFFFFD800  }
0xa0: {  	[spmem:s3] =	stream.indirect.scatter.add.f32 [tilespmem:s6], [sflag:$0x3], $0x80, s9, s0, $0xb8;
	[tilespmem:$0x1EF00] =	vst v63  }
0xa1: {  	_ =	swait.ge [sflag:s31], $0x2800  }
0xa2: {  	s10 =	smov.u32 s13;
	s9 =	sshra.s32 s12, $0x2;
	[sflag:s31] =	ssyncset.done $0x0  }
0xa3: {  	s10 =	sadd.s32 $0x50, s9;
	[sflag:s31] =	ssyncadd.s32 $0xFFFFD800  }
0xa4: {  	[tilespmem:s6], [sflag:$0x2] =	stream.indirect.gather [hbm4b:s1+s0], $0x80, s10, s0, $0xb8;
	[tilespmem:$0x1EF00] =	vst v63  }
0xa5: {  	_ =	swait.ge [sflag:s7], $0x2800  }
0xa6: {  	[sflag:s7] =	ssyncset.done $0x0  }
0xa7: {  	s11 =	sadd.s32 $0x2780, s9;
	[sflag:s7] =	ssyncadd.s32 $0xFFFFD800  }
0xa8: {  	[spmem:s3] =	stream.indirect.scatter.add.f32 [tilespmem:s2], [sflag:$0x3], $0x80, s11, s0, $0xb8;
	[tilespmem:$0x1EF00] =	vst v63  }
0xa9: {  	_ =	swait.ge [sflag:s31], $0x2800  }
0xaa: {  	[sflag:s31] =	ssyncset.done $0x0  }
0xab: {  	s12 =	sadd.s32 $0xA0, s9;
	[sflag:s31] =	ssyncadd.s32 $0xFFFFD800  }
0xac: {  	[tilespmem:s2], [sflag:$0x1] =	stream.indirect.gather [hbm4b:s1+s0], $0x80, s12, s0, $0xb8;
	[tilespmem:$0x1EF00] =	vst v63  }
0xad: {  	_ =	swait.ge [sflag:s8], $0x2800  }
0xae: {  	[sflag:s8] =	ssyncset.done $0x0  }
0xaf: {  	s13 =	sadd.s32 $0x27D0, s9;
	[sflag:s8] =	ssyncadd.s32 $0xFFFFD800  }
0xb0: {  	[spmem:s3] =	stream.indirect.scatter.add.f32 [tilespmem:s6], [sflag:$0x3], $0x80, s13, s0, $0xb8;
	[tilespmem:$0x1EF00] =	vst v63  }
0xb1: {  	_ =	swait.ge [sflag:s31], $0x2800  }
0xb2: {  	[sflag:s31] =	ssyncset.done $0x0  }
0xb3: {  	[sflag:s31] =	ssyncadd.s32 $0xFFFFD800  }
0xb4: {  	_ =	swait.ge [sflag:s7], $0x2800  }
0xb5: {  	[sflag:s7] =	ssyncset.done $0x0  }
0xb6: {  	s10 =	simm.s32 $0x4E40;
	[sflag:s7] =	ssyncadd.s32 $0xFFFFD800  }
0xb7: {  	[spmem:s3] =	stream.indirect.scatter.add.f32 [tilespmem:s2], [sflag:$0x3], $0x80, s10, s0, $0xb8;
	[tilespmem:$0x1EF00] =	vst v63  }
0xb8: {  	_ =	swait.ge [sflag:s31], $0x2800  }
0xb9: {  	[sflag:s31] =	ssyncset.done $0x0  }
0xba: {  	s11 =	stileid.u32;
	[sflag:s31] =	ssyncadd.s32 $0xFFFFD800  }
0xbb: {  	s9 =	sshll.u32 s11, $0x6;
	[bflag:$0x0] =	sbarrier.arrive $0xFFFF  }
0xbc: {  	s9 =	sor.u32 $0x1C03, s9;
	s12 =	sshrl.u32 s5, $0x3;
	s11 =	rddreg [dreg:$0x6]  }
0xbd: {  	[hbm:s11], [sflag:s9] =	dma.local [spmem:s12], $0x2800  }
0xbe: {  	_ =	swait.ge [sflag:s31], $0x2800  }
0xbf: {  	s4 =	sadd.s32 $0x1, s4;
	s13 =	rddreg [dreg:$0x7]  }
0xc0: {  	p0 =	sne.s32 s4, s13  }
.Ltmp2:
0xc1: {  	_ = 	snop;
	(pc) =	sbr.rel @p0 .LBB2_1-.Ltmp2, $3  }
0xc2: {  	_ =	sdelay $0x1  }
0xc3: {  	[sflag:s31] =	ssyncset.done $0x0  }
0xc4: {  	[sflag:s31] =	ssyncadd.s32 $0xFFFFD800  }
0xc5: {  	_ =	sfence.sel $0x180000  }
0xc6: {  	[bflag:$0x0] =	sbarrier.arrive $0xFFFF  }
0xc7: {  	_ =	strace $0x9000004A  }
0xc8: {  	s0 =	stileid.u32;
	[bflag:$0x2] =	sbarrier.arrive $0xFFFF  }
0xc9: {  	p0 =	sne.s32 s0, $0x0;
	s0 =	rddreg [dreg:$0x3]  }
0xca: {  	s0 =	sadd.s32 @!p0 $0x100000, s0  }
0xcb: {  	[sflag:s0] =	ssyncadd.tile.s32 @!p0 $0x1;
	_ =	shalt  }
.Lfunc_end2:
_tile_overlayer_lowered:
.L_overlay_start_2:
0xcc: {  	(tag) =	ssettag $0x2  }
0xcd: {  	s0 =	rddreg [dreg:$0x0];
	s2 =	stileid.u32  }
0xce: {  	s1 =	rddreg [dreg:$0x1];
	p0 =	sne.s32 s2, $0x0  }
0xcf: {  	s3 =	rddreg [dreg:$0x2];
	[bflag:$0x3] =	sbarrier.arrive $0xFFFF;
	s2 =	simm.s32 @!p0 $0x1C03  }
0xd0: {  	[timem:s3], [sflag:s2] =	dma.local @!p0 [hbm:s0], s1  }
0xd1: {  	s0 =	simm.s32 @!p0 $0x3  }
0xd2: {  	_ =	swait.ge @!p0 [sflag:s0], s1  }
0xd3: {  	s1 =	ssub.s32 @!p0 $0x0, s1;
	[sflag:s0] =	ssyncset.done @!p0 $0x0  }
0xd4: {  	[sflag:s0] =	ssyncadd.s32 @!p0 s1  }
0xd5: {  	[bflag:$0x3] =	sbarrier.arrive $0xFFFF  }
0xd6: {  	_ =	shalt  }

// kernel: kernel.14.cloned.1.call-start
scs
__scs_entry_jumppad:
0x0: {  	(pc) =	sbr.rel $0x88, $3  }
0x1: {  	(tag) =	ssettag $0x0;
	lr =	simm.s32 $0x1  }
0x2: {  	[smem:$0x3F97] =	sst lr;
	_ =	strace $0xD0000000  }
0x3: {  	_ = 	snop  }
0x4: {  	_ = 	snop  }
0x5: {  	_ = 	snop  }
0x6: {  	_ = 	snop  }
0x7: {  	_ = 	snop  }
__scs_overlays_trampoline_lowered:
0x8: {  	[smem:$0x3FA6] =	sst s0  }
0x9: {  	[smem:$0x3FA7] =	sst s1  }
0xa: {  	[smem:$0x3FA8] =	sst s2  }
0xb: {  	[smem:$0x3FA9] =	sst s3  }
0xc: {  	[smem:$0x3FAA] =	sst s4  }
0xd: {  	[smem:$0x3FAB] =	sst s5  }
0xe: {  	[smem:$0x3FAC] =	sst s6  }
0xf: {  	[smem:$0x3FAD] =	sst s7  }
0x10: {  	[smem:$0x3FAE] =	sst s8  }
0x11: {  	[smem:$0x3FAF] =	sst s9;
	s0 =	simm.s32 @!p0 $0x0  }
0x12: {  	s1 =	sld [smem:$0x3F95];
	s0 =	simm.s32 @p0 $0x1  }
0x13: {  	[smem:$0x3FB0] =	sst s0;
	s0 =	simm.s32 @!p1 $0x0  }
0x14: {  	s2 =	sld [smem:$0x3F94];
	s0 =	simm.s32 @p1 $0x1  }
0x15: {  	[smem:$0x3FB1] =	sst s0;
	s0 =	simm.s32 @!p2 $0x0  }
0x16: {  	s3 =	sld [smem:$0x3FDB];
	s0 =	simm.s32 @p2 $0x1  }
0x17: {  	s4 =	simm.s32 $0x1BF5;
	[smem:$0x3FB3] =	sst s0  }
0x18: {  	s0 =	sld [smem:$0x3F96];
	_ =	swait.ge [sflag:s4], $0x0  }
0x19: {  	s7 =	sld [smem:$0x3F97]  }
0x1a: {  	s8 =	sadd.s32 $0xFFFFE003, lr  }
0x1b: {  	s9 =	sadd.s32 $0xFFFFFEF7, lr;
	s5 =	simm.s32 $0xFFFFFFFF;
	p2 =	slt.u32 s8, $0xFFFFF086  }
0x1c: {  	p1 =	slt.u32 s9, $0xF7A;
	s5 =	simm.s32 @!p2 $0x0  }
0x1d: {  	s5 =	simm.s32 @p1 $0x1;
	p0 =	seq.s32 s7, s2  }
0x1e: {  	s7 =	smul.u32 @!p0 $0xF7A, s2;
	p2 =	seq.s32 @!p0 s5, $0x0  }
0x1f: {  	s9 =	smul.u32 $0xF7A, s1;
	s8 =	simm.s32 @!p0 $0x1BF5;
	p2 =	por !p2, p0  }
0x20: {  	[sflag:s8] =	ssyncset.s32 @!p0 $0xFFFFF086;
	s6 =	sadd.s32 @!p0 s3, s7;
	s7 =	simm.s32 @!p0 $0x108  }
0x21: {  	s3 =	sadd.s32 s3, s9;
	s6 =	sadd.s32 @!p0 $0x88, s6;
	s7 =	simm.s32 @p2 $0x1082  }
0x22: {  	[simem:s7], [sflag:s8] =	dma.local @!p0 [hbm:s6], $0xF7A  }
0x23: {  	s9 =	sor.u32 $0xD0000000, s2;
	s6 =	simm.s32 $0x108;
	_ =	swait.ge @!p0 [sflag:s8], $0x0  }
0x24: {  	s3 =	sadd.s32 $0x88, s3;
	s6 =	simm.s32 @!p1 $0x1082;
	[sflag:s4] =	ssyncset.s32 $0xFFFFF086  }
0x25: {  	[simem:s6], [sflag:s4] =	dma.local [hbm:s3], $0xF7A  }
0x26: {  	[smem:$0x3F97] =	sst s1;
	(tag) =	ssettag s2;
	_ =	strace s9  }
0x27: {  	s1 =	sld [smem:$0x3FA7]  }
0x28: {  	s2 =	sld [smem:$0x3FA8]  }
0x29: {  	s4 =	sld [smem:$0x3FAA]  }
0x2a: {  	p0 =	seq.s32 s5, $0x0;
	s5 =	sld [smem:$0x3FAB]  }
0x2b: {  	s6 =	sld [smem:$0x3FAC]  }
0x2c: {  	s7 =	sld [smem:$0x3FAD]  }
0x2d: {  	s3 =	simm.s32 $0x108;
	s8 =	sld [smem:$0x3FAE]  }
0x2e: {  	s3 =	simm.s32 @!p0 $0x1082;
	s9 =	sld [smem:$0x3FAF]  }
0x2f: {  	lr =	sadd.s32 s0, s3;
	s0 =	sld [smem:$0x3FA6]  }
0x30: {  	s3 =	sld [smem:$0x3FA9]  }
0x31: {  	[smem:$0x3FB2] =	sst s10  }
0x32: {  	s10 =	sld [smem:$0x3FB0];
	_ =	sdelay $0x3  }
0x33: {  	p0 =	seq.s32 s10, $0x1;
	s10 =	sld [smem:$0x3FB2];
	_ =	sdelay $0x3  }
0x34: {  	[smem:$0x3FB2] =	sst s10  }
0x35: {  	s10 =	sld [smem:$0x3FB1];
	_ =	sdelay $0x3  }
0x36: {  	p1 =	seq.s32 s10, $0x1;
	s10 =	sld [smem:$0x3FB2];
	_ =	sdelay $0x3  }
0x37: {  	[smem:$0x3FB2] =	sst s10  }
0x38: {  	s10 =	sld [smem:$0x3FB3]  }
0x39: {  	_ = 	snop;
	(pc) =	sbr.ind lr, $3  }
0x3a: {  	_ = 	snop  }
0x3b: {  	_ = 	snop  }
0x3c: {  	p2 =	seq.s32 s10, $0x1;
	s10 =	sld [smem:$0x3FB2]  }
0x3d: {  	_ =	shalt  }
0x3e: {  	_ =	shalt  }
0x3f: {  	_ =	shalt  }
0x40: {  	_ =	shalt  }
0x41: {  	_ =	shalt  }
0x42: {  	_ =	shalt  }
0x43: {  	_ =	shalt  }
0x44: {  	_ =	shalt  }
0x45: {  	_ =	shalt  }
0x46: {  	_ =	shalt  }
0x47: {  	_ =	shalt  }
0x48: {  	_ =	shalt  }
0x49: {  	_ =	shalt  }
0x4a: {  	_ =	shalt  }
0x4b: {  	_ =	shalt  }
0x4c: {  	_ =	shalt  }
0x4d: {  	_ =	shalt  }
0x4e: {  	_ =	shalt  }
0x4f: {  	_ =	shalt  }
0x50: {  	_ =	shalt  }
0x51: {  	_ =	shalt  }
0x52: {  	_ =	shalt  }
0x53: {  	_ =	shalt  }
0x54: {  	_ =	shalt  }
0x55: {  	_ =	shalt  }
0x56: {  	_ =	shalt  }
0x57: {  	_ =	shalt  }
0x58: {  	_ =	shalt  }
0x59: {  	_ =	shalt  }
0x5a: {  	_ =	shalt  }
0x5b: {  	_ =	shalt  }
0x5c: {  	_ =	shalt  }
0x5d: {  	_ =	shalt  }
0x5e: {  	_ =	shalt  }
0x5f: {  	_ =	shalt  }
0x60: {  	_ =	shalt  }
0x61: {  	_ =	shalt  }
0x62: {  	_ =	shalt  }
0x63: {  	_ =	shalt  }
0x64: {  	_ =	shalt  }
0x65: {  	_ =	shalt  }
0x66: {  	_ =	shalt  }
0x67: {  	_ =	shalt  }
0x68: {  	_ =	shalt  }
0x69: {  	_ =	shalt  }
0x6a: {  	_ =	shalt  }
0x6b: {  	_ =	shalt  }
0x6c: {  	_ =	shalt  }
0x6d: {  	_ =	shalt  }
0x6e: {  	_ =	shalt  }
0x6f: {  	_ =	shalt  }
0x70: {  	_ =	shalt  }
0x71: {  	_ =	shalt  }
0x72: {  	_ =	shalt  }
0x73: {  	_ =	shalt  }
0x74: {  	_ =	shalt  }
0x75: {  	_ =	shalt  }
0x76: {  	_ =	shalt  }
0x77: {  	_ =	shalt  }
0x78: {  	_ =	shalt  }
0x79: {  	_ =	shalt  }
0x7a: {  	_ =	shalt  }
0x7b: {  	_ =	shalt  }
0x7c: {  	_ =	shalt  }
0x7d: {  	_ =	shalt  }
0x7e: {  	_ =	shalt  }
0x7f: {  	_ =	shalt  }
0x80: {  	_ =	shalt  }
0x81: {  	_ =	shalt  }
0x82: {  	_ =	shalt  }
0x83: {  	_ =	shalt  }
0x84: {  	_ =	shalt  }
0x85: {  	_ =	shalt  }
0x86: {  	_ =	shalt  }
0x87: {  	_ =	shalt  }
.Lfunc_end0:
.L_simem_size_0:
called_computation.2_lowered:
.L_overlay_start_0:
0x88: {  	s2 =	sld [smem:$0x3FD9]  }
0x89: {  	s3 =	sld [smem:$0x3FFE];
	_ =	sdelay $0x1  }
0x8a: {  	s1 =	srdreg.scid  }
0x8b: {  	s0 =	sand.u32 $0x1, s1  }
0x8c: {  	s17 =	sshll.u32 s0, $0xA;
	s2 =	sadd.s32 s3, s2  }
0x8d: {  	s2 =	sadd.s32 s2, s17  }
0x8e: {  	[smem:$0x3FBE] =	sst s2  }
0x8f: {  	_ = 	snop  }
0x90: {  	s2 =	sld [smem:$0x3FD0];
	(tm) =	ssettm $0x1  }
0x91: {  	s18 =	sld [smem:$0x3FFB];
	_ =	sdelay $0x3  }
0x92: {  	_ =	strace s18  }
0x93: {  	s3 =	sld [smem:$0x3FFC];
	_ =	sdelay $0x3  }
0x94: {  	_ =	strace s3  }
0x95: {  	s3 =	sld [smem:$0x3FFD];
	_ =	sdelay $0x3  }
0x96: {  	_ =	strace s3  }
0x97: {  	_ =	strace $0x8FFFFFFF  }
0x98: {  	s19 =	sld [smem:$0x3FDB];
	_ =	sdelay $0x1  }
0x99: {  	s4 =	simm.s32 $_scs_section_size  }
0x9a: {  	s5 =	simm.s32 $_size__tile_overlayer_lowered;
	s6 =	simm.s32 $_tile_overlayer_lowered  }
0x9b: {  	s22 =	simm.s32 $0x1BFF;
	s21 =	sshll.u32 s6, $0x1;
	s3 =	sadd.s32 s4, s19  }
0x9c: {  	s7 =	simm.s32 $0x0;
	s20 =	sshll.u32 s5, $0x1;
	s5 =	sadd.s32 s21, s3  }
0x9d: {  	[timem:s7], [sflag:s22] =	dma.local [hbm:s5], s20  }
0x9e: {  	_ =	swait.ge [sflag:s22], s20  }
0x9f: {  	s4 =	ssub.s32 $0x0, s20;
	[sflag:s22] =	ssyncset.done $0x0  }
0xa0: {  	[sflag:s22] =	ssyncadd.s32 s4;
	_ =	sdelay $0x1  }
0xa1: {  	s23 =	simm.s32 $0x1B8B  }
0xa2: {  	_ =	swait.ge [sflag:s23], $0x1  }
0xa3: {  	[sflag:s23] =	ssyncset.done $0x0  }
0xa4: {  	s25 =	simm.s32 $0x1B8E;
	s24 =	sld [smem:$0x3FFE];
	[sflag:s23] =	ssyncadd.s32 $0xFFFFFFFF  }
0xa5: {  	s26 =	simm.s32 $execute0_lowered;
	[smem:$0x3FD2] =	sst s25  }
0xa6: {  	s5 =	sshll.u32 s26, $0x1;
	_ =	strace $0x8000004C;
	[dreg:$0x1] =	wrdreg $0xFFFFFFFF  }
0xa7: {  	s28 =	simm.s32 $_size_execute0_lowered;
	s3 =	sadd.s32 s3, s5;
	[dreg:$0x0] =	wrdreg $0x0  }
0xa8: {  	s5 =	sshll.u32 s28, $0x1;
	[dreg:$0x2] =	wrdreg s3  }
0xa9: {  	[dreg:$0x3] =	wrdreg s5  }
0xaa: {  	[dreg:$0x4] =	wrdreg $0xC0  }
0xab: {  	_ =	task [dreg:s7], $0x5FFFF  }
0xac: {  	[dreg:$0x1] =	wrdreg $0xFFFFFFFF  }
0xad: {  	[dreg:$0x0] =	wrdreg $0x60  }
0xae: {  	[dreg:$0x2] =	wrdreg s2  }
0xaf: {  	[dreg:$0x3] =	wrdreg s24  }
0xb0: {  	[dreg:$0x4] =	wrdreg $0xAF000  }
0xb1: {  	[dreg:$0x5] =	wrdreg $0x9  }
0xb2: {  	_ =	task.clear_ibuf [dreg:s7], $0x6FFFF;
	_ =	strace $0x9000004C  }
0xb3: {  	s29 =	simm.s32 $0x9;
	_ =	strace $0x8000004E  }
0xb4: {  	_ =	swait.ge [sflag:s29], $0x1  }
0xb5: {  	[sflag:s29] =	ssyncadd.s32 $0xFFFFFFFF  }
0xb6: {  	_ =	strace $0x9000004E  }
0xb7: {  	_ =	sfence  }
0xb8: {  	s30 =	sld [smem:$0x0];
	_ =	sdelay $0x2  }
0xb9: {  	s31 =	sshll.u32 s1, $0xD;
	s1 =	sshrl.u32 s1, $0x2  }
0xba: {  	s3 =	sand.u32 $0x4000, s31;
	s1 =	sadd.s32 s1, s30  }
0xbb: {  	s0 =	sor.u32 s3, s0;
	s1 =	sshll.u32 s1, $0x11  }
0xbc: {  	s0 =	sor.u32 s1, s0  }
0xbd: {  	s0 =	sadd.s32 $0x8F2B, s0  }
0xbe: {  	[sflag:s0] =	ssyncadd.remote.s32 $0x1  }
0xbf: {  	_ =	sfence.sel $0xFFFF  }
0xc0: {  	[dreg:$0x0] =	wrdreg $0xFFFFFFFF;
	(pc) =	sbr.abs _section_cstart, $3  }
0xc1: {  	[dreg:$0x1] =	wrdreg $0xFFFFFFFF  }
0xc2: {  	_ =	task.clear_ibuf [dreg:s7], $0x2FFFF;
	_ =	strace $0x9FFFFFFF  }
0xc3: {  	(tm) =	ssettm $0x7FFFFFFF  }
tec
execute0_lowered:
.L_overlay_start_1:
0x0: {  	(tag) =	ssettag $0x1  }
0x1: {  	s1 =	rddreg [dreg:$0x0];
	s0 =	srdreg.scid  }
0x2: {  	s2 =	rddreg [dreg:$0x1];
	s8 =	stileid.u32  }
0x3: {  	s3 =	rddreg [dreg:$0x2];
	s6 =	smul.u32 $0x2710, s8  }
0x4: {  	s4 =	simm.s32 $0x0;
	s30 =	simm.s32 $0x9F00;
	s15 =	smul.u32 $0x14000, s8  }
0x5: {  	s31 =	simm.s32 $0x3;
	s0 =	sand.u32 $0x1, s0;
	s16 =	smul.u32 $0x50000, s8  }
0x6: {  	[smem:$0x7FF] =	sst s4;
	s8 =	simm.s32 $0x2;
	s5 =	smul.u32 $0x27100, s0  }
0x7: {  	s7 =	smul.u32 $0x140000, s0;
	_ =	strace $0x8000004D;
	s0 =	ssub.s32 $0x2, s0  }
0x8: {  	s19 =	sshrl.u32 s0, $0x1;
	s20 =	sshrl.u32 s16, $0x2;
	s5 =	sadd.s32 s6, s5  }
0x9: {  	s6 =	sadd.s32 s15, s7;
	s0 =	ssub.s32 s0, s19;
	s7 =	simm.s32 $0x1  }
0xa: {  	s5 =	sshrl.u32 s5, $0x3;
	s18 =	sshrl.u32 s6, $0x3;
	s0 =	smax.u32 s0, $0x1  }
0xb: {  	s6 =	simm.s32 $0x7700;
	s17 =	sadd.s32 s5, s2;
	s2 =	sadd.s32 s18, s2  }
0xc: {  	s5 =	sadd.s32 s20, s3;
	[dreg:$0x7] =	wrdreg s0;
	s0 =	simm.s32 $0x50  }
0xd: {  	s21 =	sadd.s32 $0xC400, s17;
	s22 =	sadd.s32 $0x2600, s17;
	s2 =	sadd.s32 $0x66200, s2  }
0xe: {  	s23 =	sadd.s32 $0x1000, s5;
	s24 =	sadd.s32 $0x2000, s5;
	[dreg:$0x4] =	wrdreg s21  }
0xf: {  	s25 =	sadd.s32 $0x3000, s5;
	s26 =	sadd.s32 $0x4000, s5;
	[dreg:$0x5] =	wrdreg s22  }
0x10: {  	s14 =	sadd.s32 $0x5000, s5;
	s15 =	sadd.s32 $0x6000, s5;
	[dreg:$0x6] =	wrdreg s2  }
0x11: {  	s16 =	sadd.s32 $0x7000, s5;
	s17 =	sadd.s32 $0x8000, s5;
	[dreg:$0x8] =	wrdreg s23  }
0x12: {  	s18 =	sadd.s32 $0x9000, s5;
	s19 =	sadd.s32 $0xA000, s5;
	[dreg:$0x9] =	wrdreg s24  }
0x13: {  	s20 =	sadd.s32 $0xB000, s5;
	s28 =	sadd.s32 $0x12000, s5;
	[dreg:$0xa] =	wrdreg s25  }
0x14: {  	s29 =	sadd.s32 $0x13000, s5;
	[dreg:$0xb] =	wrdreg s26;
	s21 =	sadd.s32 $0xC000, s5  }
0x15: {  	s22 =	sadd.s32 $0xD000, s5;
	s23 =	sadd.s32 $0xE000, s5;
	s24 =	sadd.s32 $0xF000, s5  }
0x16: {  	v0 =	vimm.f32 $0.0e+00;
	s25 =	sadd.s32 $0x10000, s5;
	s26 =	sadd.s32 $0x11000, s5;
	s2 =	simm.s32 $0x4F00  }
.LBB2_1:
0x17: {  	s9 =	simm.s32 $0x0;
	s10 =	simm.s32 $0x200  }
.LBB2_2:
0x18: {  	p0 =	sne.s32 s10, $0x3E00;
	[tilespmem:s9+$0x9F70] =	vst v0  }
0x19: {  	[tilespmem:s9+$0x9F00] =	vst v0  }
0x1a: {  	[tilespmem:s9+$0x9F10] =	vst v0  }
.Ltmp0:
0x1b: {  	[tilespmem:s9+$0x9F20] =	vst v0;
	(pc) =	sbr.rel @p0 .LBB2_2-.Ltmp0, $4  }
0x1c: {  	[tilespmem:s9+$0x9F30] =	vst v0  }
0x1d: {  	[tilespmem:s9+$0x9F40] =	vst v0  }
0x1e: {  	[tilespmem:s9+$0x9F50] =	vst v0  }
0x1f: {  	[tilespmem:s9+$0x9F60] =	vst v0;
	s9 =	sshra.s32 s10, $0x2;
	s10 =	sadd.s32 $0x200, s10  }
0x20: {  	[tilespmem:s9+$0x9F70] =	vst v0  }
0x21: {  	[tilespmem:s9+$0x9F00] =	vst v0  }
0x22: {  	[tilespmem:s9+$0x9F10] =	vst v0  }
0x23: {  	[tilespmem:s9+$0x9F20] =	vst v0  }
0x24: {  	[tilespmem:s9+$0x9F30] =	vst v0  }
0x25: {  	[tilespmem:s9+$0x9F40] =	vst v0  }
0x26: {  	[tilespmem:s9+$0x9F50] =	vst v0  }
0x27: {  	[tilespmem:s9+$0x9F60] =	vst v0  }
0x28: {  	[spmem:s5] =	stream.linear.scatter [tilespmem:s30], [sflag:$0x3], $0x1000, $0x38;
	[tilespmem:$0x1EF00] =	vst v63  }
0x29: {  	_ =	swait.ge [sflag:s31], $0x1000  }
0x2a: {  	[sflag:s31] =	ssyncset.done $0x0  }
0x2b: {  	s12 =	rddreg [dreg:$0x8];
	[sflag:s31] =	ssyncadd.s32 $0xFFFFF000  }
0x2c: {  	[spmem:s12] =	stream.linear.scatter [tilespmem:s30], [sflag:$0x3], $0x1000, $0x38;
	[tilespmem:$0x1EF00] =	vst v63  }
0x2d: {  	_ =	swait.ge [sflag:s31], $0x1000  }
0x2e: {  	[sflag:s31] =	ssyncset.done $0x0  }
0x2f: {  	s13 =	rddreg [dreg:$0x9];
	[sflag:s31] =	ssyncadd.s32 $0xFFFFF000  }
0x30: {  	[spmem:s13] =	stream.linear.scatter [tilespmem:s30], [sflag:$0x3], $0x1000, $0x38;
	[tilespmem:$0x1EF00] =	vst v63  }
0x31: {  	_ =	swait.ge [sflag:s31], $0x1000  }
0x32: {  	[sflag:s31] =	ssyncset.done $0x0  }
0x33: {  	s10 =	rddreg [dreg:$0xa];
	[sflag:s31] =	ssyncadd.s32 $0xFFFFF000  }
0x34: {  	[spmem:s10] =	stream.linear.scatter [tilespmem:s30], [sflag:$0x3], $0x1000, $0x38;
	[tilespmem:$0x1EF00] =	vst v63  }
0x35: {  	_ =	swait.ge [sflag:s31], $0x1000  }
0x36: {  	[sflag:s31] =	ssyncset.done $0x0  }
0x37: {  	s11 =	rddreg [dreg:$0xb];
	[sflag:s31] =	ssyncadd.s32 $0xFFFFF000  }
0x38: {  	[spmem:s11] =	stream.linear.scatter [tilespmem:s30], [sflag:$0x3], $0x1000, $0x38;
	[tilespmem:$0x1EF00] =	vst v63  }
0x39: {  	_ =	swait.ge [sflag:s31], $0x1000  }
0x3a: {  	[sflag:s31] =	ssyncset.done $0x0  }
0x3b: {  	[sflag:s31] =	ssyncadd.s32 $0xFFFFF000  }
0x3c: {  	[spmem:s14] =	stream.linear.scatter [tilespmem:s30], [sflag:$0x3], $0x1000, $0x38;
	[tilespmem:$0x1EF00] =	vst v63  }
0x3d: {  	_ =	swait.ge [sflag:s31], $0x1000  }
0x3e: {  	[sflag:s31] =	ssyncset.done $0x0  }
0x3f: {  	[sflag:s31] =	ssyncadd.s32 $0xFFFFF000  }
0x40: {  	[spmem:s15] =	stream.linear.scatter [tilespmem:s30], [sflag:$0x3], $0x1000, $0x38;
	[tilespmem:$0x1EF00] =	vst v63  }
0x41: {  	_ =	swait.ge [sflag:s31], $0x1000  }
0x42: {  	[sflag:s31] =	ssyncset.done $0x0  }
0x43: {  	[sflag:s31] =	ssyncadd.s32 $0xFFFFF000  }
0x44: {  	[spmem:s16] =	stream.linear.scatter [tilespmem:s30], [sflag:$0x3], $0x1000, $0x38;
	[tilespmem:$0x1EF00] =	vst v63  }
0x45: {  	_ =	swait.ge [sflag:s31], $0x1000  }
0x46: {  	[sflag:s31] =	ssyncset.done $0x0  }
0x47: {  	[sflag:s31] =	ssyncadd.s32 $0xFFFFF000  }
0x48: {  	[spmem:s17] =	stream.linear.scatter [tilespmem:s30], [sflag:$0x3], $0x1000, $0x38;
	[tilespmem:$0x1EF00] =	vst v63  }
0x49: {  	_ =	swait.ge [sflag:s31], $0x1000  }
0x4a: {  	[sflag:s31] =	ssyncset.done $0x0  }
0x4b: {  	[sflag:s31] =	ssyncadd.s32 $0xFFFFF000  }
0x4c: {  	[spmem:s18] =	stream.linear.scatter [tilespmem:s30], [sflag:$0x3], $0x1000, $0x38;
	[tilespmem:$0x1EF00] =	vst v63  }
0x4d: {  	_ =	swait.ge [sflag:s31], $0x1000  }
0x4e: {  	[sflag:s31] =	ssyncset.done $0x0  }
0x4f: {  	[sflag:s31] =	ssyncadd.s32 $0xFFFFF000  }
0x50: {  	[spmem:s19] =	stream.linear.scatter [tilespmem:s30], [sflag:$0x3], $0x1000, $0x38;
	[tilespmem:$0x1EF00] =	vst v63  }
0x51: {  	_ =	swait.ge [sflag:s31], $0x1000  }
0x52: {  	[sflag:s31] =	ssyncset.done $0x0  }
0x53: {  	[sflag:s31] =	ssyncadd.s32 $0xFFFFF000  }
0x54: {  	[spmem:s20] =	stream.linear.scatter [tilespmem:s30], [sflag:$0x3], $0x1000, $0x38;
	[tilespmem:$0x1EF00] =	vst v63  }
0x55: {  	_ =	swait.ge [sflag:s31], $0x1000  }
0x56: {  	[sflag:s31] =	ssyncset.done $0x0  }
0x57: {  	[sflag:s31] =	ssyncadd.s32 $0xFFFFF000  }
0x58: {  	[spmem:s21] =	stream.linear.scatter [tilespmem:s30], [sflag:$0x3], $0x1000, $0x38;
	[tilespmem:$0x1EF00] =	vst v63  }
0x59: {  	_ =	swait.ge [sflag:s31], $0x1000  }
0x5a: {  	[sflag:s31] =	ssyncset.done $0x0  }
0x5b: {  	[sflag:s31] =	ssyncadd.s32 $0xFFFFF000  }
0x5c: {  	[spmem:s22] =	stream.linear.scatter [tilespmem:s30], [sflag:$0x3], $0x1000, $0x38;
	[tilespmem:$0x1EF00] =	vst v63  }
0x5d: {  	_ =	swait.ge [sflag:s31], $0x1000  }
0x5e: {  	[sflag:s31] =	ssyncset.done $0x0  }
0x5f: {  	[sflag:s31] =	ssyncadd.s32 $0xFFFFF000  }
0x60: {  	[spmem:s23] =	stream.linear.scatter [tilespmem:s30], [sflag:$0x3], $0x1000, $0x38;
	[tilespmem:$0x1EF00] =	vst v63  }
0x61: {  	_ =	swait.ge [sflag:s31], $0x1000  }
0x62: {  	[sflag:s31] =	ssyncset.done $0x0  }
0x63: {  	[sflag:s31] =	ssyncadd.s32 $0xFFFFF000  }
0x64: {  	[spmem:s24] =	stream.linear.scatter [tilespmem:s30], [sflag:$0x3], $0x1000, $0x38;
	[tilespmem:$0x1EF00] =	vst v63  }
0x65: {  	_ =	swait.ge [sflag:s31], $0x1000  }
0x66: {  	[sflag:s31] =	ssyncset.done $0x0  }
0x67: {  	[sflag:s31] =	ssyncadd.s32 $0xFFFFF000  }
0x68: {  	[spmem:s25] =	stream.linear.scatter [tilespmem:s30], [sflag:$0x3], $0x1000, $0x38;
	[tilespmem:$0x1EF00] =	vst v63  }
0x69: {  	_ =	swait.ge [sflag:s31], $0x1000  }
0x6a: {  	[sflag:s31] =	ssyncset.done $0x0  }
0x6b: {  	[sflag:s31] =	ssyncadd.s32 $0xFFFFF000  }
0x6c: {  	[spmem:s26] =	stream.linear.scatter [tilespmem:s30], [sflag:$0x3], $0x1000, $0x38;
	[tilespmem:$0x1EF00] =	vst v63  }
0x6d: {  	_ =	swait.ge [sflag:s31], $0x1000  }
0x6e: {  	[sflag:s31] =	ssyncset.done $0x0  }
0x6f: {  	[sflag:s31] =	ssyncadd.s32 $0xFFFFF000  }
0x70: {  	[spmem:s28] =	stream.linear.scatter [tilespmem:s30], [sflag:$0x3], $0x1000, $0x38;
	[tilespmem:$0x1EF00] =	vst v63  }
0x71: {  	_ =	swait.ge [sflag:s31], $0x1000  }
0x72: {  	[sflag:s31] =	ssyncset.done $0x0  }
0x73: {  	[sflag:s31] =	ssyncadd.s32 $0xFFFFF000  }
0x74: {  	[spmem:s29] =	stream.linear.scatter [tilespmem:s30], [sflag:$0x3], $0x1000, $0x38;
	[tilespmem:$0x1EF00] =	vst v63  }
0x75: {  	_ =	swait.ge [sflag:s31], $0x1000  }
0x76: {  	[sflag:s31] =	ssyncset.done $0x0  }
0x77: {  	s12 =	simm.s32 $0x0;
	s10 =	rddreg [dreg:$0x4];
	[sflag:s31] =	ssyncadd.s32 $0xFFFFF000  }
0x78: {  	[tilespmem:s12], [sflag:$0x3] =	stream.linear.gather [hbm4b:s10+s12], $0x2710, $0x38;
	[tilespmem:$0x1EF00] =	vst v63  }
0x79: {  	_ =	swait.ge [sflag:s31], $0x2710  }
0x7a: {  	[sflag:s31] =	ssyncset.done $0x0  }
0x7b: {  	s11 =	simm.s32 $0x2780;
	s13 =	rddreg [dreg:$0x5];
	[sflag:s31] =	ssyncadd.s32 $0xFFFFD8F0  }
0x7c: {  	[tilespmem:s11], [sflag:$0x3] =	stream.linear.gather [hbm4b:s13+s12], $0x2710, $0x38;
	[tilespmem:$0x1EF00] =	vst v63  }
0x7d: {  	_ =	swait.ge [sflag:s31], $0x2710  }
0x7e: {  	[sflag:s31] =	ssyncset.done $0x0  }
0x7f: {  	[sflag:s31] =	ssyncadd.s32 $0xFFFFD8F0  }
0x80: {  	[bflag:$0x0] =	sbarrier.arrive $0xFFFF  }
0x81: {  	[tilespmem:s2], [sflag:$0x1] =	stream.indirect.gather [hbm4b:s1+s0], $0x80, s12, s0, $0xb8;
	[tilespmem:$0x1EF00] =	vst v63  }
0x82: {  	s10 =	simm.s32 $0x50  }
0x83: {  	[tilespmem:s6], [sflag:$0x2] =	stream.indirect.gather [hbm4b:s1+s0], $0x80, s10, s0, $0xb8;
	[tilespmem:$0x1EF00] =	vst v63  }
0x84: {  	_ =	swait.ge [sflag:s7], $0x2800  }
0x85: {  	[sflag:s7] =	ssyncset.done $0x0  }
0x86: {  	s11 =	simm.s32 $0x2780;
	[sflag:s7] =	ssyncadd.s32 $0xFFFFD800  }
0x87: {  	[spmem:s3] =	stream.indirect.scatter.add.f32 [tilespmem:s2], [sflag:$0x3], $0x80, s11, s0, $0xb8;
	[tilespmem:$0x1EF00] =	vst v63  }
0x88: {  	_ =	swait.ge [sflag:s31], $0x2800  }
0x89: {  	[sflag:s31] =	ssyncset.done $0x0  }
0x8a: {  	s12 =	simm.s32 $0xA0;
	[sflag:s31] =	ssyncadd.s32 $0xFFFFD800  }
0x8b: {  	[tilespmem:s2], [sflag:$0x1] =	stream.indirect.gather [hbm4b:s1+s0], $0x80, s12, s0, $0xb8;
	[tilespmem:$0x1EF00] =	vst v63  }
0x8c: {  	_ =	swait.ge [sflag:s8], $0x2800  }
0x8d: {  	[sflag:s8] =	ssyncset.done $0x0  }
0x8e: {  	s13 =	simm.s32 $0x27D0;
	[sflag:s8] =	ssyncadd.s32 $0xFFFFD800  }
0x8f: {  	[spmem:s3] =	stream.indirect.scatter.add.f32 [tilespmem:s6], [sflag:$0x3], $0x80, s13, s0, $0xb8;
	[tilespmem:$0x1EF00] =	vst v63  }
0x90: {  	_ =	swait.ge [sflag:s31], $0x2800  }
0x91: {  	s9 =	simm.s32 $0xA0;
	s10 =	simm.s32 $0x500;
	[sflag:s31] =	ssyncset.done $0x0  }
.LBB2_4:
0x92: {  	s11 =	sadd.s32 $0x50, s9  }
0x93: {  	[sflag:s31] =	ssyncadd.s32 $0xFFFFD800;
	s12 =	smov.u32 s10;
	s13 =	sadd.s32 $0x280, s10  }
0x94: {  	[tilespmem:s6], [sflag:$0x2] =	stream.indirect.gather [hbm4b:s1+s0], $0x80, s11, s0, $0xb8;
	[tilespmem:$0x1EF00] =	vst v63  }
0x95: {  	p0 =	sne.s32 s10, $0x9880;
	_ =	swait.ge [sflag:s7], $0x2800  }
0x96: {  	[sflag:s7] =	ssyncset.done $0x0  }
0x97: {  	s10 =	sadd.s32 $0x2780, s9;
	[sflag:s7] =	ssyncadd.s32 $0xFFFFD800  }
0x98: {  	[spmem:s3] =	stream.indirect.scatter.add.f32 [tilespmem:s2], [sflag:$0x3], $0x80, s10, s0, $0xb8;
	[tilespmem:$0x1EF00] =	vst v63  }
0x99: {  	_ =	swait.ge [sflag:s31], $0x2800  }
0x9a: {  	[sflag:s31] =	ssyncset.done $0x0  }
0x9b: {  	s10 =	sadd.s32 $0xA0, s9;
	[sflag:s31] =	ssyncadd.s32 $0xFFFFD800  }
0x9c: {  	[tilespmem:s2], [sflag:$0x1] =	stream.indirect.gather [hbm4b:s1+s0], $0x80, s10, s0, $0xb8;
	[tilespmem:$0x1EF00] =	vst v63  }
0x9d: {  	_ =	swait.ge [sflag:s8], $0x2800  }
.Ltmp1:
0x9e: {  	[sflag:s8] =	ssyncset.done $0x0;
	(pc) =	sbr.rel @p0 .LBB2_4-.Ltmp1, $4  }
0x9f: {  	s9 =	sadd.s32 $0x27D0, s9;
	[sflag:s8] =	ssyncadd.s32 $0xFFFFD800  }
0xa0: {  	[spmem:s3] =	stream.indirect.scatter.add.f32 [tilespmem:s6], [sflag:$0x3], $0x80, s9, s0, $0xb8;
	[tilespmem:$0x1EF00] =	vst v63  }
0xa1: {  	_ =	swait.ge [sflag:s31], $0x2800  }
0xa2: {  	s10 =	smov.u32 s13;
	s9 =	sshra.s32 s12, $0x2;
	[sflag:s31] =	ssyncset.done $0x0  }
0xa3: {  	s10 =	sadd.s32 $0x50, s9;
	[sflag:s31] =	ssyncadd.s32 $0xFFFFD800  }
0xa4: {  	[tilespmem:s6], [sflag:$0x2] =	stream.indirect.gather [hbm4b:s1+s0], $0x80, s10, s0, $0xb8;
	[tilespmem:$0x1EF00] =	vst v63  }
0xa5: {  	_ =	swait.ge [sflag:s7], $0x2800  }
0xa6: {  	[sflag:s7] =	ssyncset.done $0x0  }
0xa7: {  	s11 =	sadd.s32 $0x2780, s9;
	[sflag:s7] =	ssyncadd.s32 $0xFFFFD800  }
0xa8: {  	[spmem:s3] =	stream.indirect.scatter.add.f32 [tilespmem:s2], [sflag:$0x3], $0x80, s11, s0, $0xb8;
	[tilespmem:$0x1EF00] =	vst v63  }
0xa9: {  	_ =	swait.ge [sflag:s31], $0x2800  }
0xaa: {  	[sflag:s31] =	ssyncset.done $0x0  }
0xab: {  	s12 =	sadd.s32 $0xA0, s9;
	[sflag:s31] =	ssyncadd.s32 $0xFFFFD800  }
0xac: {  	[tilespmem:s2], [sflag:$0x1] =	stream.indirect.gather [hbm4b:s1+s0], $0x80, s12, s0, $0xb8;
	[tilespmem:$0x1EF00] =	vst v63  }
0xad: {  	_ =	swait.ge [sflag:s8], $0x2800  }
0xae: {  	[sflag:s8] =	ssyncset.done $0x0  }
0xaf: {  	s13 =	sadd.s32 $0x27D0, s9;
	[sflag:s8] =	ssyncadd.s32 $0xFFFFD800  }
0xb0: {  	[spmem:s3] =	stream.indirect.scatter.add.f32 [tilespmem:s6], [sflag:$0x3], $0x80, s13, s0, $0xb8;
	[tilespmem:$0x1EF00] =	vst v63  }
0xb1: {  	_ =	swait.ge [sflag:s31], $0x2800  }
0xb2: {  	[sflag:s31] =	ssyncset.done $0x0  }
0xb3: {  	[sflag:s31] =	ssyncadd.s32 $0xFFFFD800  }
0xb4: {  	_ =	swait.ge [sflag:s7], $0x2800  }
0xb5: {  	[sflag:s7] =	ssyncset.done $0x0  }
0xb6: {  	s10 =	simm.s32 $0x4E40;
	[sflag:s7] =	ssyncadd.s32 $0xFFFFD800  }
0xb7: {  	[spmem:s3] =	stream.indirect.scatter.add.f32 [tilespmem:s2], [sflag:$0x3], $0x80, s10, s0, $0xb8;
	[tilespmem:$0x1EF00] =	vst v63  }
0xb8: {  	_ =	swait.ge [sflag:s31], $0x2800  }
0xb9: {  	[sflag:s31] =	ssyncset.done $0x0  }
0xba: {  	s11 =	stileid.u32;
	[sflag:s31] =	ssyncadd.s32 $0xFFFFD800  }
0xbb: {  	s9 =	sshll.u32 s11, $0x6;
	[bflag:$0x0] =	sbarrier.arrive $0xFFFF  }
0xbc: {  	s9 =	sor.u32 $0x1C03, s9;
	s12 =	sshrl.u32 s5, $0x3;
	s11 =	rddreg [dreg:$0x6]  }
0xbd: {  	[hbm:s11], [sflag:s9] =	dma.local [spmem:s12], $0x2800  }
0xbe: {  	_ =	swait.ge [sflag:s31], $0x2800  }
0xbf: {  	s4 =	sadd.s32 $0x1, s4;
	s13 =	rddreg [dreg:$0x7]  }
0xc0: {  	p0 =	sne.s32 s4, s13  }
.Ltmp2:
0xc1: {  	_ = 	snop;
	(pc) =	sbr.rel @p0 .LBB2_1-.Ltmp2, $3  }
0xc2: {  	_ =	sdelay $0x1  }
0xc3: {  	[sflag:s31] =	ssyncset.done $0x0  }
0xc4: {  	[sflag:s31] =	ssyncadd.s32 $0xFFFFD800  }
0xc5: {  	_ =	sfence.sel $0x180000  }
0xc6: {  	[bflag:$0x0] =	sbarrier.arrive $0xFFFF  }
0xc7: {  	_ =	strace $0x9000004D  }
0xc8: {  	s0 =	stileid.u32;
	[bflag:$0x2] =	sbarrier.arrive $0xFFFF  }
0xc9: {  	p0 =	sne.s32 s0, $0x0;
	s0 =	rddreg [dreg:$0x3]  }
0xca: {  	s0 =	sadd.s32 @!p0 $0x100000, s0  }
0xcb: {  	[sflag:s0] =	ssyncadd.tile.s32 @!p0 $0x1;
	_ =	shalt  }
.Lfunc_end2:
_tile_overlayer_lowered:
.L_overlay_start_2:
0xcc: {  	(tag) =	ssettag $0x2  }
0xcd: {  	s0 =	rddreg [dreg:$0x0];
	s2 =	stileid.u32  }
0xce: {  	s1 =	rddreg [dreg:$0x1];
	p0 =	sne.s32 s2, $0x0  }
0xcf: {  	s3 =	rddreg [dreg:$0x2];
	[bflag:$0x3] =	sbarrier.arrive $0xFFFF;
	s2 =	simm.s32 @!p0 $0x1C03  }
0xd0: {  	[timem:s3], [sflag:s2] =	dma.local @!p0 [hbm:s0], s1  }
0xd1: {  	s0 =	simm.s32 @!p0 $0x3  }
0xd2: {  	_ =	swait.ge @!p0 [sflag:s0], s1  }
0xd3: {  	s1 =	ssub.s32 @!p0 $0x0, s1;
	[sflag:s0] =	ssyncset.done @!p0 $0x0  }
0xd4: {  	[sflag:s0] =	ssyncadd.s32 @!p0 s1  }
0xd5: {  	[bflag:$0x3] =	sbarrier.arrive $0xFFFF  }
0xd6: {  	_ =	shalt  }

// kernel: kernel.8.cloned.1.call-start
scs
__scs_entry_jumppad:
0x0: {  	(pc) =	sbr.rel $0x88, $3  }
0x1: {  	(tag) =	ssettag $0x0;
	lr =	simm.s32 $0x1  }
0x2: {  	[smem:$0x3F97] =	sst lr;
	_ =	strace $0xD0000000  }
0x3: {  	_ = 	snop  }
0x4: {  	_ = 	snop  }
0x5: {  	_ = 	snop  }
0x6: {  	_ = 	snop  }
0x7: {  	_ = 	snop  }
__scs_overlays_trampoline_lowered:
0x8: {  	[smem:$0x3FA6] =	sst s0  }
0x9: {  	[smem:$0x3FA7] =	sst s1  }
0xa: {  	[smem:$0x3FA8] =	sst s2  }
0xb: {  	[smem:$0x3FA9] =	sst s3  }
0xc: {  	[smem:$0x3FAA] =	sst s4  }
0xd: {  	[smem:$0x3FAB] =	sst s5  }
0xe: {  	[smem:$0x3FAC] =	sst s6  }
0xf: {  	[smem:$0x3FAD] =	sst s7  }
0x10: {  	[smem:$0x3FAE] =	sst s8  }
0x11: {  	[smem:$0x3FAF] =	sst s9;
	s0 =	simm.s32 @!p0 $0x0  }
0x12: {  	s1 =	sld [smem:$0x3F95];
	s0 =	simm.s32 @p0 $0x1  }
0x13: {  	[smem:$0x3FB0] =	sst s0;
	s0 =	simm.s32 @!p1 $0x0  }
0x14: {  	s2 =	sld [smem:$0x3F94];
	s0 =	simm.s32 @p1 $0x1  }
0x15: {  	[smem:$0x3FB1] =	sst s0;
	s0 =	simm.s32 @!p2 $0x0  }
0x16: {  	s3 =	sld [smem:$0x3FDB];
	s0 =	simm.s32 @p2 $0x1  }
0x17: {  	s4 =	simm.s32 $0x1BF5;
	[smem:$0x3FB3] =	sst s0  }
0x18: {  	s0 =	sld [smem:$0x3F96];
	_ =	swait.ge [sflag:s4], $0x0  }
0x19: {  	s7 =	sld [smem:$0x3F97]  }
0x1a: {  	s8 =	sadd.s32 $0xFFFFE003, lr  }
0x1b: {  	s9 =	sadd.s32 $0xFFFFFEF7, lr;
	s5 =	simm.s32 $0xFFFFFFFF;
	p2 =	slt.u32 s8, $0xFFFFF086  }
0x1c: {  	p1 =	slt.u32 s9, $0xF7A;
	s5 =	simm.s32 @!p2 $0x0  }
0x1d: {  	s5 =	simm.s32 @p1 $0x1;
	p0 =	seq.s32 s7, s2  }
0x1e: {  	s7 =	smul.u32 @!p0 $0xF7A, s2;
	p2 =	seq.s32 @!p0 s5, $0x0  }
0x1f: {  	s9 =	smul.u32 $0xF7A, s1;
	s8 =	simm.s32 @!p0 $0x1BF5;
	p2 =	por !p2, p0  }
0x20: {  	[sflag:s8] =	ssyncset.s32 @!p0 $0xFFFFF086;
	s6 =	sadd.s32 @!p0 s3, s7;
	s7 =	simm.s32 @!p0 $0x108  }
0x21: {  	s3 =	sadd.s32 s3, s9;
	s6 =	sadd.s32 @!p0 $0x88, s6;
	s7 =	simm.s32 @p2 $0x1082  }
0x22: {  	[simem:s7], [sflag:s8] =	dma.local @!p0 [hbm:s6], $0xF7A  }
0x23: {  	s9 =	sor.u32 $0xD0000000, s2;
	s6 =	simm.s32 $0x108;
	_ =	swait.ge @!p0 [sflag:s8], $0x0  }
0x24: {  	s3 =	sadd.s32 $0x88, s3;
	s6 =	simm.s32 @!p1 $0x1082;
	[sflag:s4] =	ssyncset.s32 $0xFFFFF086  }
0x25: {  	[simem:s6], [sflag:s4] =	dma.local [hbm:s3], $0xF7A  }
0x26: {  	[smem:$0x3F97] =	sst s1;
	(tag) =	ssettag s2;
	_ =	strace s9  }
0x27: {  	s1 =	sld [smem:$0x3FA7]  }
0x28: {  	s2 =	sld [smem:$0x3FA8]  }
0x29: {  	s4 =	sld [smem:$0x3FAA]  }
0x2a: {  	p0 =	seq.s32 s5, $0x0;
	s5 =	sld [smem:$0x3FAB]  }
0x2b: {  	s6 =	sld [smem:$0x3FAC]  }
0x2c: {  	s7 =	sld [smem:$0x3FAD]  }
0x2d: {  	s3 =	simm.s32 $0x108;
	s8 =	sld [smem:$0x3FAE]  }
0x2e: {  	s3 =	simm.s32 @!p0 $0x1082;
	s9 =	sld [smem:$0x3FAF]  }
0x2f: {  	lr =	sadd.s32 s0, s3;
	s0 =	sld [smem:$0x3FA6]  }
0x30: {  	s3 =	sld [smem:$0x3FA9]  }
0x31: {  	[smem:$0x3FB2] =	sst s10  }
0x32: {  	s10 =	sld [smem:$0x3FB0];
	_ =	sdelay $0x3  }
0x33: {  	p0 =	seq.s32 s10, $0x1;
	s10 =	sld [smem:$0x3FB2];
	_ =	sdelay $0x3  }
0x34: {  	[smem:$0x3FB2] =	sst s10  }
0x35: {  	s10 =	sld [smem:$0x3FB1];
	_ =	sdelay $0x3  }
0x36: {  	p1 =	seq.s32 s10, $0x1;
	s10 =	sld [smem:$0x3FB2];
	_ =	sdelay $0x3  }
0x37: {  	[smem:$0x3FB2] =	sst s10  }
0x38: {  	s10 =	sld [smem:$0x3FB3]  }
0x39: {  	_ = 	snop;
	(pc) =	sbr.ind lr, $3  }
0x3a: {  	_ = 	snop  }
0x3b: {  	_ = 	snop  }
0x3c: {  	p2 =	seq.s32 s10, $0x1;
	s10 =	sld [smem:$0x3FB2]  }
0x3d: {  	_ =	shalt  }
0x3e: {  	_ =	shalt  }
0x3f: {  	_ =	shalt  }
0x40: {  	_ =	shalt  }
0x41: {  	_ =	shalt  }
0x42: {  	_ =	shalt  }
0x43: {  	_ =	shalt  }
0x44: {  	_ =	shalt  }
0x45: {  	_ =	shalt  }
0x46: {  	_ =	shalt  }
0x47: {  	_ =	shalt  }
0x48: {  	_ =	shalt  }
0x49: {  	_ =	shalt  }
0x4a: {  	_ =	shalt  }
0x4b: {  	_ =	shalt  }
0x4c: {  	_ =	shalt  }
0x4d: {  	_ =	shalt  }
0x4e: {  	_ =	shalt  }
0x4f: {  	_ =	shalt  }
0x50: {  	_ =	shalt  }
0x51: {  	_ =	shalt  }
0x52: {  	_ =	shalt  }
0x53: {  	_ =	shalt  }
0x54: {  	_ =	shalt  }
0x55: {  	_ =	shalt  }
0x56: {  	_ =	shalt  }
0x57: {  	_ =	shalt  }
0x58: {  	_ =	shalt  }
0x59: {  	_ =	shalt  }
0x5a: {  	_ =	shalt  }
0x5b: {  	_ =	shalt  }
0x5c: {  	_ =	shalt  }
0x5d: {  	_ =	shalt  }
0x5e: {  	_ =	shalt  }
0x5f: {  	_ =	shalt  }
0x60: {  	_ =	shalt  }
0x61: {  	_ =	shalt  }
0x62: {  	_ =	shalt  }
0x63: {  	_ =	shalt  }
0x64: {  	_ =	shalt  }
0x65: {  	_ =	shalt  }
0x66: {  	_ =	shalt  }
0x67: {  	_ =	shalt  }
0x68: {  	_ =	shalt  }
0x69: {  	_ =	shalt  }
0x6a: {  	_ =	shalt  }
0x6b: {  	_ =	shalt  }
0x6c: {  	_ =	shalt  }
0x6d: {  	_ =	shalt  }
0x6e: {  	_ =	shalt  }
0x6f: {  	_ =	shalt  }
0x70: {  	_ =	shalt  }
0x71: {  	_ =	shalt  }
0x72: {  	_ =	shalt  }
0x73: {  	_ =	shalt  }
0x74: {  	_ =	shalt  }
0x75: {  	_ =	shalt  }
0x76: {  	_ =	shalt  }
0x77: {  	_ =	shalt  }
0x78: {  	_ =	shalt  }
0x79: {  	_ =	shalt  }
0x7a: {  	_ =	shalt  }
0x7b: {  	_ =	shalt  }
0x7c: {  	_ =	shalt  }
0x7d: {  	_ =	shalt  }
0x7e: {  	_ =	shalt  }
0x7f: {  	_ =	shalt  }
0x80: {  	_ =	shalt  }
0x81: {  	_ =	shalt  }
0x82: {  	_ =	shalt  }
0x83: {  	_ =	shalt  }
0x84: {  	_ =	shalt  }
0x85: {  	_ =	shalt  }
0x86: {  	_ =	shalt  }
0x87: {  	_ =	shalt  }
.Lfunc_end0:
.L_simem_size_0:
called_computation_lowered:
.L_overlay_start_0:
0x88: {  	s2 =	sld [smem:$0x3FD9]  }
0x89: {  	s3 =	sld [smem:$0x3FFE];
	_ =	sdelay $0x1  }
0x8a: {  	s1 =	srdreg.scid  }
0x8b: {  	s0 =	sand.u32 $0x1, s1  }
0x8c: {  	s16 =	sshll.u32 s0, $0xA;
	s2 =	sadd.s32 s3, s2  }
0x8d: {  	s2 =	sadd.s32 s2, s16  }
0x8e: {  	[smem:$0x3FBE] =	sst s2  }
0x8f: {  	_ = 	snop  }
0x90: {  	(tm) =	ssettm $0x1  }
0x91: {  	s17 =	sld [smem:$0x3FFB];
	_ =	sdelay $0x3  }
0x92: {  	_ =	strace s17  }
0x93: {  	s2 =	sld [smem:$0x3FFC];
	_ =	sdelay $0x3  }
0x94: {  	_ =	strace s2  }
0x95: {  	s2 =	sld [smem:$0x3FFD];
	_ =	sdelay $0x3  }
0x96: {  	_ =	strace s2  }
0x97: {  	_ =	strace $0x8FFFFFFF  }
0x98: {  	s18 =	sld [smem:$0x3FDB];
	_ =	sdelay $0x1  }
0x99: {  	s19 =	simm.s32 $_scs_section_size  }
0x9a: {  	s4 =	simm.s32 $_size__tile_overlayer_lowered;
	s5 =	simm.s32 $_tile_overlayer_lowered  }
0x9b: {  	s22 =	simm.s32 $0x1BFF;
	s21 =	sshll.u32 s5, $0x1;
	s2 =	sadd.s32 s19, s18  }
0x9c: {  	s6 =	simm.s32 $0x0;
	s20 =	sshll.u32 s4, $0x1;
	s4 =	sadd.s32 s21, s2  }
0x9d: {  	[timem:s6], [sflag:s22] =	dma.local [hbm:s4], s20  }
0x9e: {  	_ =	swait.ge [sflag:s22], s20  }
0x9f: {  	s3 =	ssub.s32 $0x0, s20;
	[sflag:s22] =	ssyncset.done $0x0  }
0xa0: {  	[sflag:s22] =	ssyncadd.s32 s3;
	_ =	sdelay $0x1  }
0xa1: {  	s23 =	simm.s32 $0x1B8B  }
0xa2: {  	_ =	swait.ge [sflag:s23], $0x1  }
0xa3: {  	[sflag:s23] =	ssyncset.done $0x0  }
0xa4: {  	s25 =	simm.s32 $0x1B8E;
	s24 =	sld [smem:$0x3FFE];
	[sflag:s23] =	ssyncadd.s32 $0xFFFFFFFF  }
0xa5: {  	s26 =	simm.s32 $execute0_lowered;
	[smem:$0x3FD2] =	sst s25  }
0xa6: {  	s4 =	sshll.u32 s26, $0x1;
	_ =	strace $0x80000046;
	[dreg:$0x1] =	wrdreg $0xFFFFFFFF  }
0xa7: {  	s28 =	simm.s32 $_size_execute0_lowered;
	s2 =	sadd.s32 s2, s4;
	[dreg:$0x0] =	wrdreg $0x0  }
0xa8: {  	s4 =	sshll.u32 s28, $0x1;
	[dreg:$0x2] =	wrdreg s2  }
0xa9: {  	[dreg:$0x3] =	wrdreg s4  }
0xaa: {  	[dreg:$0x4] =	wrdreg $0xC0  }
0xab: {  	_ =	task [dreg:s6], $0x5FFFF  }
0xac: {  	[dreg:$0x1] =	wrdreg $0xFFFFFFFF  }
0xad: {  	[dreg:$0x0] =	wrdreg $0x60  }
0xae: {  	[dreg:$0x2] =	wrdreg s24  }
0xaf: {  	[dreg:$0x3] =	wrdreg $0x86800  }
0xb0: {  	[dreg:$0x4] =	wrdreg $0x9  }
0xb1: {  	_ =	task.clear_ibuf [dreg:s6], $0x5FFFF;
	_ =	strace $0x90000046  }
0xb2: {  	s29 =	simm.s32 $0x9;
	_ =	strace $0x80000048  }
0xb3: {  	_ =	swait.ge [sflag:s29], $0x1  }
0xb4: {  	[sflag:s29] =	ssyncadd.s32 $0xFFFFFFFF  }
0xb5: {  	_ =	strace $0x90000048  }
0xb6: {  	_ =	sfence  }
0xb7: {  	s30 =	sld [smem:$0x0];
	_ =	sdelay $0x2  }
0xb8: {  	s31 =	sshll.u32 s1, $0xD;
	s1 =	sshrl.u32 s1, $0x2  }
0xb9: {  	s3 =	sand.u32 $0x4000, s31;
	s1 =	sadd.s32 s1, s30  }
0xba: {  	s0 =	sor.u32 s3, s0;
	s1 =	sshll.u32 s1, $0x11  }
0xbb: {  	s0 =	sor.u32 s1, s0  }
0xbc: {  	s0 =	sadd.s32 $0x8F2B, s0  }
0xbd: {  	[sflag:s0] =	ssyncadd.remote.s32 $0x1  }
0xbe: {  	_ =	sfence.sel $0xFFFF  }
0xbf: {  	[dreg:$0x0] =	wrdreg $0xFFFFFFFF;
	(pc) =	sbr.abs _section_cstart, $3  }
0xc0: {  	[dreg:$0x1] =	wrdreg $0xFFFFFFFF  }
0xc1: {  	_ =	task.clear_ibuf [dreg:s6], $0x2FFFF;
	_ =	strace $0x9FFFFFFF  }
0xc2: {  	(tm) =	ssettm $0x7FFFFFFF  }
0xc3: {  	_ =	shalt  }
tec
execute0_lowered:
.L_overlay_start_1:
0x0: {  	(tag) =	ssettag $0x1  }
0x1: {  	s0 =	rddreg [dreg:$0x0];
	s1 =	srdreg.scid  }
0x2: {  	s2 =	rddreg [dreg:$0x1];
	s9 =	stileid.u32;
	s3 =	simm.s32 $0x0  }
0x3: {  	s23 =	simm.s32 $0x2600;
	s28 =	simm.s32 $0x7680;
	s5 =	smul.u32 $0x14000, s9  }
0x4: {  	s29 =	simm.s32 $0x1;
	s1 =	sand.u32 $0x1, s1;
	s6 =	smul.u32 $0x50000, s9  }
0x5: {  	s31 =	simm.s32 $0x50;
	[smem:$0x7FF] =	sst s3;
	s4 =	smul.u32 $0x140000, s1  }
0x6: {  	s30 =	smul.u32 $0x9C4, s9;
	s25 =	ssub.s32 $0x2, s1;
	_ =	strace $0x80000047  }
0x7: {  	p0 =	seq.s32 s1, $0x1;
	s7 =	sshrl.u32 s25, $0x1;
	s4 =	sadd.s32 s5, s4  }
0x8: {  	s26 =	sshrl.u32 s6, $0x2;
	s7 =	ssub.s32 s25, s7;
	s4 =	sshrl.u32 s4, $0x3  }
0x9: {  	s23 =	simm.s32 @!p0 $0xC400;
	s6 =	smax.u32 s7, $0x1;
	s8 =	sadd.s32 s4, s0  }
0xa: {  	s4 =	sadd.s32 s26, s2;
	s0 =	sadd.s32 s23, s0;
	s5 =	sadd.s32 $0x16200, s8  }
0xb: {  	s7 =	sadd.s32 $0x1000, s4;
	s8 =	sadd.s32 $0x2000, s4;
	s9 =	sadd.s32 $0x3000, s4  }
0xc: {  	s10 =	sadd.s32 $0x4000, s4;
	s11 =	sadd.s32 $0x5000, s4;
	s12 =	sadd.s32 $0x6000, s4  }
0xd: {  	s13 =	sadd.s32 $0x7000, s4;
	s14 =	sadd.s32 $0x8000, s4;
	s15 =	sadd.s32 $0x9000, s4  }
0xe: {  	s16 =	sadd.s32 $0xA000, s4;
	s17 =	sadd.s32 $0xB000, s4;
	s18 =	sadd.s32 $0xC000, s4  }
0xf: {  	s19 =	sadd.s32 $0xD000, s4;
	s20 =	sadd.s32 $0xE000, s4;
	s21 =	sadd.s32 $0xF000, s4  }
0x10: {  	s22 =	sadd.s32 $0x10000, s4;
	s23 =	sadd.s32 $0x11000, s4;
	s24 =	sadd.s32 s0, s30  }
0x11: {  	v0 =	vimm.f32 $1.000000000e+00;
	v1 =	vimm.f32 $0.0e+00;
	s25 =	sadd.s32 $0x12000, s4;
	s26 =	sadd.s32 $0x13000, s4;
	s0 =	simm.s32 $0x0  }
.LBB2_1:
0x12: {  	s1 =	simm.s32 $0x70;
	s30 =	simm.s32 $0x3C0  }
.LBB2_2:
0x13: {  	p0 =	sne.s32 s30, $0x9FC0;
	[tilespmem:s1+$0x0] =	vst v0  }
0x14: {  	[tilespmem:s1+$0xFFFFFF90] =	vst v0  }
0x15: {  	[tilespmem:s1+$0xFFFFFFA0] =	vst v0  }
.Ltmp0:
0x16: {  	[tilespmem:s1+$0xFFFFFFB0] =	vst v0;
	(pc) =	sbr.rel @p0 .LBB2_2-.Ltmp0, $4  }
0x17: {  	[tilespmem:s1+$0xFFFFFFC0] =	vst v0  }
0x18: {  	[tilespmem:s1+$0xFFFFFFD0] =	vst v0  }
0x19: {  	[tilespmem:s1+$0xFFFFFFE0] =	vst v0  }
0x1a: {  	[tilespmem:s1+$0xFFFFFFF0] =	vst v0;
	s1 =	sshra.s32 s30, $0x2;
	s30 =	sadd.s32 $0x200, s30  }
0x1b: {  	[tilespmem:s1+$0x0] =	vst v0  }
0x1c: {  	[tilespmem:s1+$0xFFFFFF90] =	vst v0  }
0x1d: {  	[tilespmem:s1+$0xFFFFFFA0] =	vst v0  }
0x1e: {  	[tilespmem:s1+$0xFFFFFFB0] =	vst v0  }
0x1f: {  	[tilespmem:s1+$0xFFFFFFC0] =	vst v0  }
0x20: {  	[tilespmem:s1+$0xFFFFFFD0] =	vst v0  }
0x21: {  	[tilespmem:s1+$0xFFFFFFE0] =	vst v0  }
0x22: {  	[tilespmem:s1+$0xFFFFFFF0] =	vst v0;
	s1 =	simm.s32 $0x0;
	s30 =	simm.s32 $0x200  }
.LBB2_4:
0x23: {  	p0 =	sne.s32 s30, $0x3E00;
	[tilespmem:s1+$0x76F0] =	vst v1  }
0x24: {  	[tilespmem:s1+$0x7680] =	vst v1  }
0x25: {  	[tilespmem:s1+$0x7690] =	vst v1  }
.Ltmp1:
0x26: {  	[tilespmem:s1+$0x76A0] =	vst v1;
	(pc) =	sbr.rel @p0 .LBB2_4-.Ltmp1, $4  }
0x27: {  	[tilespmem:s1+$0x76B0] =	vst v1  }
0x28: {  	[tilespmem:s1+$0x76C0] =	vst v1  }
0x29: {  	[tilespmem:s1+$0x76D0] =	vst v1  }
0x2a: {  	[tilespmem:s1+$0x76E0] =	vst v1;
	s1 =	sshra.s32 s30, $0x2;
	s30 =	sadd.s32 $0x200, s30  }
0x2b: {  	[tilespmem:s1+$0x76F0] =	vst v1  }
0x2c: {  	[tilespmem:s1+$0x7680] =	vst v1  }
0x2d: {  	[tilespmem:s1+$0x7690] =	vst v1  }
0x2e: {  	[tilespmem:s1+$0x76A0] =	vst v1  }
0x2f: {  	[tilespmem:s1+$0x76B0] =	vst v1  }
0x30: {  	[tilespmem:s1+$0x76C0] =	vst v1  }
0x31: {  	[tilespmem:s1+$0x76D0] =	vst v1  }
0x32: {  	[tilespmem:s1+$0x76E0] =	vst v1  }
0x33: {  	[spmem:s4] =	stream.linear.scatter [tilespmem:s28], [sflag:$0x1], $0x1000, $0x38;
	[tilespmem:$0x1C680] =	vst v63  }
0x34: {  	_ =	swait.ge [sflag:s29], $0x1000  }
0x35: {  	[sflag:s29] =	ssyncset.done $0x0  }
0x36: {  	[sflag:s29] =	ssyncadd.s32 $0xFFFFF000  }
0x37: {  	[spmem:s7] =	stream.linear.scatter [tilespmem:s28], [sflag:$0x1], $0x1000, $0x38;
	[tilespmem:$0x1C680] =	vst v63  }
0x38: {  	_ =	swait.ge [sflag:s29], $0x1000  }
0x39: {  	[sflag:s29] =	ssyncset.done $0x0  }
0x3a: {  	[sflag:s29] =	ssyncadd.s32 $0xFFFFF000  }
0x3b: {  	[spmem:s8] =	stream.linear.scatter [tilespmem:s28], [sflag:$0x1], $0x1000, $0x38;
	[tilespmem:$0x1C680] =	vst v63  }
0x3c: {  	_ =	swait.ge [sflag:s29], $0x1000  }
0x3d: {  	[sflag:s29] =	ssyncset.done $0x0  }
0x3e: {  	[sflag:s29] =	ssyncadd.s32 $0xFFFFF000  }
0x3f: {  	[spmem:s9] =	stream.linear.scatter [tilespmem:s28], [sflag:$0x1], $0x1000, $0x38;
	[tilespmem:$0x1C680] =	vst v63  }
0x40: {  	_ =	swait.ge [sflag:s29], $0x1000  }
0x41: {  	[sflag:s29] =	ssyncset.done $0x0  }
0x42: {  	[sflag:s29] =	ssyncadd.s32 $0xFFFFF000  }
0x43: {  	[spmem:s10] =	stream.linear.scatter [tilespmem:s28], [sflag:$0x1], $0x1000, $0x38;
	[tilespmem:$0x1C680] =	vst v63  }
0x44: {  	_ =	swait.ge [sflag:s29], $0x1000  }
0x45: {  	[sflag:s29] =	ssyncset.done $0x0  }
0x46: {  	[sflag:s29] =	ssyncadd.s32 $0xFFFFF000  }
0x47: {  	[spmem:s11] =	stream.linear.scatter [tilespmem:s28], [sflag:$0x1], $0x1000, $0x38;
	[tilespmem:$0x1C680] =	vst v63  }
0x48: {  	_ =	swait.ge [sflag:s29], $0x1000  }
0x49: {  	[sflag:s29] =	ssyncset.done $0x0  }
0x4a: {  	[sflag:s29] =	ssyncadd.s32 $0xFFFFF000  }
0x4b: {  	[spmem:s12] =	stream.linear.scatter [tilespmem:s28], [sflag:$0x1], $0x1000, $0x38;
	[tilespmem:$0x1C680] =	vst v63  }
0x4c: {  	_ =	swait.ge [sflag:s29], $0x1000  }
0x4d: {  	[sflag:s29] =	ssyncset.done $0x0  }
0x4e: {  	[sflag:s29] =	ssyncadd.s32 $0xFFFFF000  }
0x4f: {  	[spmem:s13] =	stream.linear.scatter [tilespmem:s28], [sflag:$0x1], $0x1000, $0x38;
	[tilespmem:$0x1C680] =	vst v63  }
0x50: {  	_ =	swait.ge [sflag:s29], $0x1000  }
0x51: {  	[sflag:s29] =	ssyncset.done $0x0  }
0x52: {  	[sflag:s29] =	ssyncadd.s32 $0xFFFFF000  }
0x53: {  	[spmem:s14] =	stream.linear.scatter [tilespmem:s28], [sflag:$0x1], $0x1000, $0x38;
	[tilespmem:$0x1C680] =	vst v63  }
0x54: {  	_ =	swait.ge [sflag:s29], $0x1000  }
0x55: {  	[sflag:s29] =	ssyncset.done $0x0  }
0x56: {  	[sflag:s29] =	ssyncadd.s32 $0xFFFFF000  }
0x57: {  	[spmem:s15] =	stream.linear.scatter [tilespmem:s28], [sflag:$0x1], $0x1000, $0x38;
	[tilespmem:$0x1C680] =	vst v63  }
0x58: {  	_ =	swait.ge [sflag:s29], $0x1000  }
0x59: {  	[sflag:s29] =	ssyncset.done $0x0  }
0x5a: {  	[sflag:s29] =	ssyncadd.s32 $0xFFFFF000  }
0x5b: {  	[spmem:s16] =	stream.linear.scatter [tilespmem:s28], [sflag:$0x1], $0x1000, $0x38;
	[tilespmem:$0x1C680] =	vst v63  }
0x5c: {  	_ =	swait.ge [sflag:s29], $0x1000  }
0x5d: {  	[sflag:s29] =	ssyncset.done $0x0  }
0x5e: {  	[sflag:s29] =	ssyncadd.s32 $0xFFFFF000  }
0x5f: {  	[spmem:s17] =	stream.linear.scatter [tilespmem:s28], [sflag:$0x1], $0x1000, $0x38;
	[tilespmem:$0x1C680] =	vst v63  }
0x60: {  	_ =	swait.ge [sflag:s29], $0x1000  }
0x61: {  	[sflag:s29] =	ssyncset.done $0x0  }
0x62: {  	[sflag:s29] =	ssyncadd.s32 $0xFFFFF000  }
0x63: {  	[spmem:s18] =	stream.linear.scatter [tilespmem:s28], [sflag:$0x1], $0x1000, $0x38;
	[tilespmem:$0x1C680] =	vst v63  }
0x64: {  	_ =	swait.ge [sflag:s29], $0x1000  }
0x65: {  	[sflag:s29] =	ssyncset.done $0x0  }
0x66: {  	[sflag:s29] =	ssyncadd.s32 $0xFFFFF000  }
0x67: {  	[spmem:s19] =	stream.linear.scatter [tilespmem:s28], [sflag:$0x1], $0x1000, $0x38;
	[tilespmem:$0x1C680] =	vst v63  }
0x68: {  	_ =	swait.ge [sflag:s29], $0x1000  }
0x69: {  	[sflag:s29] =	ssyncset.done $0x0  }
0x6a: {  	[sflag:s29] =	ssyncadd.s32 $0xFFFFF000  }
0x6b: {  	[spmem:s20] =	stream.linear.scatter [tilespmem:s28], [sflag:$0x1], $0x1000, $0x38;
	[tilespmem:$0x1C680] =	vst v63  }
0x6c: {  	_ =	swait.ge [sflag:s29], $0x1000  }
0x6d: {  	[sflag:s29] =	ssyncset.done $0x0  }
0x6e: {  	[sflag:s29] =	ssyncadd.s32 $0xFFFFF000  }
0x6f: {  	[spmem:s21] =	stream.linear.scatter [tilespmem:s28], [sflag:$0x1], $0x1000, $0x38;
	[tilespmem:$0x1C680] =	vst v63  }
0x70: {  	_ =	swait.ge [sflag:s29], $0x1000  }
0x71: {  	[sflag:s29] =	ssyncset.done $0x0  }
0x72: {  	[sflag:s29] =	ssyncadd.s32 $0xFFFFF000  }
0x73: {  	[spmem:s22] =	stream.linear.scatter [tilespmem:s28], [sflag:$0x1], $0x1000, $0x38;
	[tilespmem:$0x1C680] =	vst v63  }
0x74: {  	_ =	swait.ge [sflag:s29], $0x1000  }
0x75: {  	[sflag:s29] =	ssyncset.done $0x0  }
0x76: {  	[sflag:s29] =	ssyncadd.s32 $0xFFFFF000  }
0x77: {  	[spmem:s23] =	stream.linear.scatter [tilespmem:s28], [sflag:$0x1], $0x1000, $0x38;
	[tilespmem:$0x1C680] =	vst v63  }
0x78: {  	_ =	swait.ge [sflag:s29], $0x1000  }
0x79: {  	[sflag:s29] =	ssyncset.done $0x0  }
0x7a: {  	[sflag:s29] =	ssyncadd.s32 $0xFFFFF000  }
0x7b: {  	[spmem:s25] =	stream.linear.scatter [tilespmem:s28], [sflag:$0x1], $0x1000, $0x38;
	[tilespmem:$0x1C680] =	vst v63  }
0x7c: {  	_ =	swait.ge [sflag:s29], $0x1000  }
0x7d: {  	[sflag:s29] =	ssyncset.done $0x0  }
0x7e: {  	[sflag:s29] =	ssyncadd.s32 $0xFFFFF000  }
0x7f: {  	[spmem:s26] =	stream.linear.scatter [tilespmem:s28], [sflag:$0x1], $0x1000, $0x38;
	[tilespmem:$0x1C680] =	vst v63  }
0x80: {  	_ =	swait.ge [sflag:s29], $0x1000  }
0x81: {  	[sflag:s29] =	ssyncset.done $0x0  }
0x82: {  	s1 =	simm.s32 $0x0;
	s30 =	simm.s32 $0x2800;
	[sflag:s29] =	ssyncadd.s32 $0xFFFFF000  }
0x83: {  	[tilespmem:s30], [sflag:$0x1] =	stream.linear.gather [hbm4b:s24+s1], $0x4E20, $0x38;
	[tilespmem:$0x1C680] =	vst v63  }
0x84: {  	_ =	swait.ge [sflag:s29], $0x4E20  }
0x85: {  	[sflag:s29] =	ssyncset.done $0x0  }
0x86: {  	[sflag:s29] =	ssyncadd.s32 $0xFFFFB1E0  }
0x87: {  	s30 =	simm.s32 $0x2800;
	[bflag:$0x0] =	sbarrier.arrive $0xFFFF  }
0x88: {  	[spmem:s2] =	stream.indirect.scatter.add.f32 [tilespmem:s3], [sflag:$0x1], $0x80, s30, s31, $0xb8;
	[tilespmem:$0x1C680] =	vst v63  }
0x89: {  	s1 =	simm.s32 $0x140;
	_ =	swait.ge [sflag:s29], $0x2800  }
.LBB2_6:
0x8a: {  	s30 =	sshra.s32 s1, $0x2;
	[sflag:s29] =	ssyncset.done $0x0;
	p0 =	sne.s32 s1, $0x13740  }
.Ltmp2:
0x8b: {  	s30 =	sadd.s32 $0x2800, s30;
	[sflag:s29] =	ssyncadd.s32 $0xFFFFD800;
	(pc) =	sbr.rel @p0 .LBB2_6-.Ltmp2, $3  }
0x8c: {  	[spmem:s2] =	stream.indirect.scatter.add.f32 [tilespmem:s3], [sflag:$0x1], $0x80, s30, s31, $0xb8;
	[tilespmem:$0x1C680] =	vst v63  }
0x8d: {  	s1 =	sadd.s32 $0x140, s1;
	_ =	sdelay $0x1  }
0x8e: {  	_ =	swait.ge [sflag:s29], $0x2800  }
0x8f: {  	[sflag:s29] =	ssyncset.done $0x0  }
0x90: {  	s1 =	stileid.u32;
	s30 =	sshrl.u32 s4, $0x3;
	s0 =	sadd.s32 $0x1, s0  }
0x91: {  	[sflag:s29] =	ssyncadd.s32 $0xFFFFD800;
	s1 =	sshll.u32 s1, $0x6;
	p0 =	sne.s32 s0, s6  }
.Ltmp3:
0x92: {  	[bflag:$0x0] =	sbarrier.arrive $0xFFFF;
	s1 =	sor.u32 $0x1C01, s1;
	(pc) =	sbr.rel @p0 .LBB2_1-.Ltmp3, $4  }
0x93: {  	[hbm:s5], [sflag:s1] =	dma.local [spmem:s30], $0x2800  }
0x94: {  	_ =	swait.ge [sflag:s29], $0x2800  }
0x95: {  	[sflag:s29] =	ssyncset.done $0x0  }
0x96: {  	[sflag:s29] =	ssyncadd.s32 $0xFFFFD800  }
0x97: {  	_ =	sfence.sel $0x180000  }
0x98: {  	[bflag:$0x0] =	sbarrier.arrive $0xFFFF  }
0x99: {  	_ =	strace $0x90000047  }
0x9a: {  	s0 =	stileid.u32;
	[bflag:$0x2] =	sbarrier.arrive $0xFFFF  }
0x9b: {  	p0 =	sne.s32 s0, $0x0;
	s0 =	rddreg [dreg:$0x2]  }
0x9c: {  	s0 =	sadd.s32 @!p0 $0x100000, s0  }
0x9d: {  	[sflag:s0] =	ssyncadd.tile.s32 @!p0 $0x1;
	_ =	shalt  }
.Lfunc_end2:
_tile_overlayer_lowered:
.L_overlay_start_2:
0x9e: {  	(tag) =	ssettag $0x2  }
0x9f: {  	s0 =	rddreg [dreg:$0x0];
	s2 =	stileid.u32  }
0xa0: {  	s1 =	rddreg [dreg:$0x1];
	p0 =	sne.s32 s2, $0x0  }
0xa1: {  	s3 =	rddreg [dreg:$0x2];
	[bflag:$0x3] =	sbarrier.arrive $0xFFFF;
	s2 =	simm.s32 @!p0 $0x1C01  }
0xa2: {  	[timem:s3], [sflag:s2] =	dma.local @!p0 [hbm:s0], s1  }
0xa3: {  	s0 =	simm.s32 @!p0 $0x1  }
0xa4: {  	_ =	swait.ge @!p0 [sflag:s0], s1  }
0xa5: {  	s1 =	ssub.s32 @!p0 $0x0, s1;
	[sflag:s0] =	ssyncset.done @!p0 $0x0  }
0xa6: {  	[sflag:s0] =	ssyncadd.s32 @!p0 s1  }
0xa7: {  	[bflag:$0x3] =	sbarrier.arrive $0xFFFF  }
0xa8: {  	_ =	shalt  }

</sc_bundles>
